<compile_context>
chip_gen: v7x
topology: tpu7x:2x2x1
jax: 0.10.2.dev20260603
libtpu: 0.0.44.dev20260713+nightly
codegen_flags: <defaults>
</compile_context>

<pallas_src>
import functools

import jax
import jax.numpy as jnp
from jax import lax
from jax.experimental import pallas as pl
from jax.experimental.pallas import tpu as pltpu
from jax.experimental.pallas import tpu_sc as plsc

_NUM_USERS = 100000
_EMBED_DIM = 768
_BATCH = 16384

_NC = 2
_NS = 16
_NW = _NC * _NS
_B_PER_W = _BATCH // _NW
_CHUNK = 32
_N_CHUNKS = _B_PER_W // _CHUNK
_NBUF = 4
_LEAD = 2


def _build_gather():
    mesh = plsc.VectorSubcoreMesh(core_axis_name="c", subcore_axis_name="s")

    @functools.partial(
        pl.kernel,
        mesh=mesh,
        out_type=jax.ShapeDtypeStruct((_BATCH, 1, _EMBED_DIM), jnp.float32),
        scratch_types=[
            pltpu.VMEM((_B_PER_W,), jnp.int32),
            pltpu.VMEM((_NBUF * _CHUNK, 1, _EMBED_DIM), jnp.float32),
            pltpu.SemaphoreType.DMA((_NBUF,)),
            pltpu.SemaphoreType.DMA((_NBUF,)),
        ],
    )
    def gather(idx_hbm, table_hbm, out_hbm, idx_v, rows_v, gsem, osem):
        wid = lax.axis_index("s") * _NC + lax.axis_index("c")
        base = wid * _B_PER_W
        pltpu.sync_copy(idx_hbm.at[pl.ds(base, _B_PER_W)], idx_v)

        def gstart(j):
            b = j % _NBUF
            return pltpu.async_copy(
                table_hbm.at[idx_v.at[pl.ds(j * _CHUNK, _CHUNK)]],
                rows_v.at[pl.ds(b * _CHUNK, _CHUNK)], gsem.at[b])

        def ostart(j):
            b = j % _NBUF
            return pltpu.async_copy(
                rows_v.at[pl.ds(b * _CHUNK, _CHUNK)],
                out_hbm.at[pl.ds(base + j * _CHUNK, _CHUNK)],
                osem.at[b])

        g = [None] * _N_CHUNKS
        o = [None] * _N_CHUNKS
        for j in range(min(_LEAD, _N_CHUNKS)):
            g[j] = gstart(j)
        for j in range(_N_CHUNKS):
            nxt = j + _LEAD
            if nxt < _N_CHUNKS:
                prev = nxt - _NBUF
                if prev >= 0:
                    o[prev].wait()
                g[nxt] = gstart(nxt)
            g[j].wait()
            o[j] = ostart(j)
        for j in range(max(0, _N_CHUNKS - _NBUF + _LEAD), _N_CHUNKS):
            o[j].wait()

    return gather


_gather = _build_gather()


def kernel(user_indices, visual_tokens):
    return _gather(user_indices.astype(jnp.int32), visual_tokens)

# --- scband reference (transcript-rebuilt; emitter-appended) ---
"""Pipeline reference for scband-visual-prompt-tokens-38886633898652 (READ-ONLY COPY).

The authoritative reference and input builder live on the scoring server;
editing this copy changes nothing except your own understanding.
"""

import jax, jax.numpy as jnp
import numpy as np

NUM_USERS = 100000
EMBED_DIM = 768
BATCH = 16384

def setup_inputs(seed: int = 0) -> dict:
    key = jax.random.key(seed)
    k1, k2 = jax.random.split(key)
    user_indices = jax.random.randint(k1, (BATCH,), 0, NUM_USERS, dtype=jnp.int64 if jax.config.read('jax_enable_x64') else jnp.int32)
    visual_tokens = jax.random.normal(k2, (NUM_USERS, 1, EMBED_DIM), dtype=jnp.float32) * 0.02
    return {"user_indices": user_indices, "visual_tokens": visual_tokens}

def reference(user_indices, visual_tokens):
    # Faithful translation of VisualPromptTokens.forward: self.visual_tokens[user_indices]
    return jnp.take(visual_tokens, user_indices, axis=0)

if __name__ == "__main__":
    import jax
    _d = setup_inputs()
    print(jax.jit(kernel)(*tuple(_d.values())))

</pallas_src>

<mosaic_0001>
#map = affine_map<(d0, d1) -> (0)>
#map1 = affine_map<(d0, d1) -> (0, 0, 0)>
module attributes {stable_mosaic.version = 14 : i64} {
  func.func @gather(%arg0: i32, %arg1: i32, %arg2: memref<16384xi32, #tpu.memory_space<hbm>>, %arg3: memref<100000x1x768xf32, #tpu.memory_space<hbm>>, %arg4: memref<16384x1x768xf32, #tpu.memory_space<hbm>>, %arg5: memref<512xi32, #tpu.memory_space<vmem>>, %arg6: memref<128x1x768xf32, #tpu.memory_space<vmem>>, %arg7: memref<4x!tpu.dma_semaphore, #tpu.memory_space<semaphore_mem>>, %arg8: memref<4x!tpu.dma_semaphore, #tpu.memory_space<semaphore_mem>>) attributes {dimension_semantics = [#tpu.dimension_semantics<core_parallel>, #tpu.dimension_semantics<subcore_parallel>], iteration_bounds = array<i64: 2, 16>, scalar_prefetch = 0 : i64, scratch_operands = 4 : i64, tpu.core_type = #tpu.core_type<sc_vector_subcore>, window_params = [{transform_indices = #map}, {transform_indices = #map1}, {transform_indices = #map1}]} {
    %mul3A = arith.constant 2 : i32
    %mul3A_0 = arith.muli %arg1, %mul3A : i32
    %add3A = arith.addi %mul3A_0, %arg0 : i32
    %mul3A_1 = arith.constant 512 : i32
    %mul3A_2 = arith.muli %add3A, %mul3A_1 : i32
    "tpu.region"() ({
      %run_scoped3A = tpu.sem_alloc : memref<!tpu.dma_semaphore, #tpu.memory_space<semaphore_mem>>
      %dma_start3A_959 = tpu.memref_slice %arg2[%mul3A_2] : memref<16384xi32, #tpu.memory_space<hbm>> -> memref<512xi32, #tpu.memory_space<hbm>>
      %dma_start3A_960 = tpu.memref_slice %arg2[%mul3A_2] : memref<16384xi32, #tpu.memory_space<hbm>> -> memref<512xi32, #tpu.memory_space<hbm>>
      tpu.enqueue_dma source(%dma_start3A_960 : memref<512xi32, #tpu.memory_space<hbm>>) target(%arg5 : memref<512xi32, #tpu.memory_space<vmem>>) target_semaphore(%run_scoped3A : memref<!tpu.dma_semaphore, #tpu.memory_space<semaphore_mem>>)
      %dma_wait3A_961 = tpu.memref_slice %arg2[%mul3A_2] : memref<16384xi32, #tpu.memory_space<hbm>> -> memref<512xi32, #tpu.memory_space<hbm>>
      %dma_wait3A_962 = tpu.memref_slice %arg2[%mul3A_2] : memref<16384xi32, #tpu.memory_space<hbm>> -> memref<512xi32, #tpu.memory_space<hbm>>
      tpu.wait_dma2 semaphore(%run_scoped3A : memref<!tpu.dma_semaphore, #tpu.memory_space<semaphore_mem>>) src(%dma_wait3A_962 : memref<512xi32, #tpu.memory_space<hbm>>) dst(%arg5 : memref<512xi32, #tpu.memory_space<vmem>>)
      tpu.yield
    }) : () -> ()
    %dma_start3A = arith.constant 0 : i32
    %dma_start3A_3 = arith.constant 0 : i32
    %dma_start3A_4 = arith.constant 0 : i32
    %dma_start3A_5 = arith.constant 0 : i32
    %dma_start3A_6 = tpu.memref_slice %arg6[%dma_start3A_3, %dma_start3A_4, %dma_start3A_5] : memref<128x1x768xf32, #tpu.memory_space<vmem>> -> memref<32x1x768xf32, #tpu.memory_space<vmem>>
    %dma_start3A_7 = arith.constant 0 : i32
    %dma_start3A_8 = tpu.memref_slice %arg5[%dma_start3A_7] : memref<512xi32, #tpu.memory_space<vmem>> -> memref<32xi32, #tpu.memory_space<vmem>>
    %dma_start3A_9 = arith.constant 0 : i32
    %dma_start3A_10 = arith.constant 0 : i32
    %dma_start3A_11 = arith.constant 0 : i32
    %dma_start3A_12 = tpu.memref_slice %arg3[%dma_start3A_9, %dma_start3A_10, %dma_start3A_11] : memref<100000x1x768xf32, #tpu.memory_space<hbm>> -> memref<100000x1x768xf32, #tpu.memory_space<hbm>>
    %dma_start3A_13 = tpu.memref_slice %arg7[%dma_start3A] : memref<4x!tpu.dma_semaphore, #tpu.memory_space<semaphore_mem>> -> memref<1x!tpu.dma_semaphore, #tpu.memory_space<semaphore_mem>>
    %dma_start3A_14 = tpu.memref_squeeze %dma_start3A_13 : memref<1x!tpu.dma_semaphore, #tpu.memory_space<semaphore_mem>> -> memref<!tpu.dma_semaphore, #tpu.memory_space<semaphore_mem>>
    tpu.enqueue_indirect_dma source(%dma_start3A_12 : memref<100000x1x768xf32, #tpu.memory_space<hbm>>) target(%dma_start3A_6 : memref<32x1x768xf32, #tpu.memory_space<vmem>>) offsets(%dma_start3A_8 : memref<32xi32, #tpu.memory_space<vmem>>) semaphore(%dma_start3A_14 : memref<!tpu.dma_semaphore, #tpu.memory_space<semaphore_mem>>)
    %dma_start3A_15 = arith.constant 1 : i32
    %dma_start3A_16 = arith.constant 32 : i32
    %dma_start3A_17 = arith.constant 0 : i32
    %dma_start3A_18 = arith.constant 0 : i32
    %dma_start3A_19 = tpu.memref_slice %arg6[%dma_start3A_16, %dma_start3A_17, %dma_start3A_18] : memref<128x1x768xf32, #tpu.memory_space<vmem>> -> memref<32x1x768xf32, #tpu.memory_space<vmem>>
    %dma_start3A_20 = arith.constant 32 : i32
    %dma_start3A_21 = tpu.memref_slice %arg5[%dma_start3A_20] : memref<512xi32, #tpu.memory_space<vmem>> -> memref<32xi32, #tpu.memory_space<vmem>>
    %dma_start3A_22 = arith.constant 0 : i32
    %dma_start3A_23 = arith.constant 0 : i32
    %dma_start3A_24 = arith.constant 0 : i32
    %dma_start3A_25 = tpu.memref_slice %arg3[%dma_start3A_22, %dma_start3A_23, %dma_start3A_24] : memref<100000x1x768xf32, #tpu.memory_space<hbm>> -> memref<100000x1x768xf32, #tpu.memory_space<hbm>>
    %dma_start3A_26 = tpu.memref_slice %arg7[%dma_start3A_15] : memref<4x!tpu.dma_semaphore, #tpu.memory_space<semaphore_mem>> -> memref<1x!tpu.dma_semaphore, #tpu.memory_space<semaphore_mem>>
    %dma_start3A_27 = tpu.memref_squeeze %dma_start3A_26 : memref<1x!tpu.dma_semaphore, #tpu.memory_space<semaphore_mem>> -> memref<!tpu.dma_semaphore, #tpu.memory_space<semaphore_mem>>
    tpu.enqueue_indirect_dma source(%dma_start3A_25 : memref<100000x1x768xf32, #tpu.memory_space<hbm>>) target(%dma_start3A_19 : memref<32x1x768xf32, #tpu.memory_space<vmem>>) offsets(%dma_start3A_21 : memref<32xi32, #tpu.memory_space<vmem>>) semaphore(%dma_start3A_27 : memref<!tpu.dma_semaphore, #tpu.memory_space<semaphore_mem>>)
    %dma_start3A_28 = arith.constant 2 : i32
    %dma_start3A_29 = arith.constant 64 : i32
    %dma_start3A_30 = arith.constant 0 : i32
    %dma_start3A_31 = arith.constant 0 : i32
    %dma_start3A_32 = tpu.memref_slice %arg6[%dma_start3A_29, %dma_start3A_30, %dma_start3A_31] : memref<128x1x768xf32, #tpu.memory_space<vmem>> -> memref<32x1x768xf32, #tpu.memory_space<vmem>>
    %dma_start3A_33 = arith.constant 64 : i32
    %dma_start3A_34 = tpu.memref_slice %arg5[%dma_start3A_33] : memref<512xi32, #tpu.memory_space<vmem>> -> memref<32xi32, #tpu.memory_space<vmem>>
    %dma_start3A_35 = arith.constant 0 : i32
    %dma_start3A_36 = arith.constant 0 : i32
    %dma_start3A_37 = arith.constant 0 : i32
    %dma_start3A_38 = tpu.memref_slice %arg3[%dma_start3A_35, %dma_start3A_36, %dma_start3A_37] : memref<100000x1x768xf32, #tpu.memory_space<hbm>> -> memref<100000x1x768xf32, #tpu.memory_space<hbm>>
    %dma_start3A_39 = tpu.memref_slice %arg7[%dma_start3A_28] : memref<4x!tpu.dma_semaphore, #tpu.memory_space<semaphore_mem>> -> memref<1x!tpu.dma_semaphore, #tpu.memory_space<semaphore_mem>>
    %dma_start3A_40 = tpu.memref_squeeze %dma_start3A_39 : memref<1x!tpu.dma_semaphore, #tpu.memory_space<semaphore_mem>> -> memref<!tpu.dma_semaphore, #tpu.memory_space<semaphore_mem>>
    tpu.enqueue_indirect_dma source(%dma_start3A_38 : memref<100000x1x768xf32, #tpu.memory_space<hbm>>) target(%dma_start3A_32 : memref<32x1x768xf32, #tpu.memory_space<vmem>>) offsets(%dma_start3A_34 : memref<32xi32, #tpu.memory_space<vmem>>) semaphore(%dma_start3A_40 : memref<!tpu.dma_semaphore, #tpu.memory_space<semaphore_mem>>)
    %dma_wait3A = arith.constant 0 : i32
    %dma_wait3A_41 = arith.constant 0 : i32
    %dma_wait3A_42 = arith.constant 0 : i32
    %dma_wait3A_43 = arith.constant 0 : i32
    %dma_wait3A_44 = tpu.memref_slice %arg6[%dma_wait3A_41, %dma_wait3A_42, %dma_wait3A_43] : memref<128x1x768xf32, #tpu.memory_space<vmem>> -> memref<32x1x768xf32, #tpu.memory_space<vmem>>
    %dma_wait3A_45 = arith.constant 0 : i32
    %dma_wait3A_46 = tpu.memref_slice %arg5[%dma_wait3A_45] : memref<512xi32, #tpu.memory_space<vmem>> -> memref<32xi32, #tpu.memory_space<vmem>>
    %dma_wait3A_47 = arith.constant 0 : i32
    %dma_wait3A_48 = arith.constant 0 : i32
    %dma_wait3A_49 = arith.constant 0 : i32
    %dma_wait3A_50 = tpu.memref_slice %arg3[%dma_wait3A_47, %dma_wait3A_48, %dma_wait3A_49] : memref<100000x1x768xf32, #tpu.memory_space<hbm>> -> memref<100000x1x768xf32, #tpu.memory_space<hbm>>
    %dma_wait3A_51 = tpu.memref_slice %arg7[%dma_wait3A] : memref<4x!tpu.dma_semaphore, #tpu.memory_space<semaphore_mem>> -> memref<1x!tpu.dma_semaphore, #tpu.memory_space<semaphore_mem>>
    %dma_wait3A_52 = tpu.memref_squeeze %dma_wait3A_51 : memref<1x!tpu.dma_semaphore, #tpu.memory_space<semaphore_mem>> -> memref<!tpu.dma_semaphore, #tpu.memory_space<semaphore_mem>>
    tpu.wait_indirect_dma semaphore(%dma_wait3A_52 : memref<!tpu.dma_semaphore, #tpu.memory_space<semaphore_mem>>) src(%dma_wait3A_50 : memref<100000x1x768xf32, #tpu.memory_space<hbm>>) dst(%dma_wait3A_44 : memref<32x1x768xf32, #tpu.memory_space<vmem>>)
    %add3A_53 = arith.constant 0 : i32
    %add3A_54 = arith.addi %mul3A_2, %add3A_53 : i32
    %dma_start3A_55 = arith.constant 0 : i32
    %dma_start3A_56 = arith.constant 0 : i32
    %dma_start3A_57 = arith.constant 0 : i32
    %dma_start3A_58 = arith.constant 0 : i32
    %dma_start3A_59 = tpu.memref_slice %arg6[%dma_start3A_56, %dma_start3A_57, %dma_start3A_58] : memref<128x1x768xf32, #tpu.memory_space<vmem>> -> memref<32x1x768xf32, #tpu.memory_space<vmem>>
    %dma_start3A_60 = arith.constant 0 : i32
    %dma_start3A_61 = arith.constant 0 : i32
    %dma_start3A_62 = tpu.memref_slice %arg4[%add3A_54, %dma_start3A_60, %dma_start3A_61] : memref<16384x1x768xf32, #tpu.memory_space<hbm>> -> memref<32x1x768xf32, #tpu.memory_space<hbm>>
    %dma_start3A_63 = tpu.memref_slice %arg8[%dma_start3A_55] : memref<4x!tpu.dma_semaphore, #tpu.memory_space<semaphore_mem>> -> memref<1x!tpu.dma_semaphore, #tpu.memory_space<semaphore_mem>>
    %dma_start3A_64 = tpu.memref_squeeze %dma_start3A_63 : memref<1x!tpu.dma_semaphore, #tpu.memory_space<semaphore_mem>> -> memref<!tpu.dma_semaphore, #tpu.memory_space<semaphore_mem>>
    %dma_start3A_65 = arith.constant 0 : i32
    %dma_start3A_66 = arith.constant 0 : i32
    %dma_start3A_67 = tpu.memref_slice %arg4[%add3A_54, %dma_start3A_65, %dma_start3A_66] : memref<16384x1x768xf32, #tpu.memory_space<hbm>> -> memref<32x1x768xf32, #tpu.memory_space<hbm>>
    %dma_start3A_68 = arith.constant 0 : i32
    %dma_start3A_69 = arith.constant 0 : i32
    %dma_start3A_70 = arith.constant 0 : i32
    %dma_start3A_71 = tpu.memref_slice %arg6[%dma_start3A_68, %dma_start3A_69, %dma_start3A_70] : memref<128x1x768xf32, #tpu.memory_space<vmem>> -> memref<32x1x768xf32, #tpu.memory_space<vmem>>
    tpu.enqueue_dma source(%dma_start3A_71 : memref<32x1x768xf32, #tpu.memory_space<vmem>>) target(%dma_start3A_67 : memref<32x1x768xf32, #tpu.memory_space<hbm>>) target_semaphore(%dma_start3A_64 : memref<!tpu.dma_semaphore, #tpu.memory_space<semaphore_mem>>)
    %dma_start3A_72 = arith.constant 3 : i32
    %dma_start3A_73 = arith.constant 96 : i32
    %dma_start3A_74 = arith.constant 0 : i32
    %dma_start3A_75 = arith.constant 0 : i32
    %dma_start3A_76 = tpu.memref_slice %arg6[%dma_start3A_73, %dma_start3A_74, %dma_start3A_75] : memref<128x1x768xf32, #tpu.memory_space<vmem>> -> memref<32x1x768xf32, #tpu.memory_space<vmem>>
    %dma_start3A_77 = arith.constant 96 : i32
    %dma_start3A_78 = tpu.memref_slice %arg5[%dma_start3A_77] : memref<512xi32, #tpu.memory_space<vmem>> -> memref<32xi32, #tpu.memory_space<vmem>>
    %dma_start3A_79 = arith.constant 0 : i32
    %dma_start3A_80 = arith.constant 0 : i32
    %dma_start3A_81 = arith.constant 0 : i32
    %dma_start3A_82 = tpu.memref_slice %arg3[%dma_start3A_79, %dma_start3A_80, %dma_start3A_81] : memref<100000x1x768xf32, #tpu.memory_space<hbm>> -> memref<100000x1x768xf32, #tpu.memory_space<hbm>>
    %dma_start3A_83 = tpu.memref_slice %arg7[%dma_start3A_72] : memref<4x!tpu.dma_semaphore, #tpu.memory_space<semaphore_mem>> -> memref<1x!tpu.dma_semaphore, #tpu.memory_space<semaphore_mem>>
    %dma_start3A_84 = tpu.memref_squeeze %dma_start3A_83 : memref<1x!tpu.dma_semaphore, #tpu.memory_space<semaphore_mem>> -> memref<!tpu.dma_semaphore, #tpu.memory_space<semaphore_mem>>
    tpu.enqueue_indirect_dma source(%dma_start3A_82 : memref<100000x1x768xf32, #tpu.memory_space<hbm>>) target(%dma_start3A_76 : memref<32x1x768xf32, #tpu.memory_space<vmem>>) offsets(%dma_start3A_78 : memref<32xi32, #tpu.memory_space<vmem>>) semaphore(%dma_start3A_84 : memref<!tpu.dma_semaphore, #tpu.memory_space<semaphore_mem>>)
    %dma_wait3A_85 = arith.constant 1 : i32
    %dma_wait3A_86 = arith.constant 32 : i32
    %dma_wait3A_87 = arith.constant 0 : i32
    %dma_wait3A_88 = arith.constant 0 : i32
    %dma_wait3A_89 = tpu.memref_slice %arg6[%dma_wait3A_86, %dma_wait3A_87, %dma_wait3A_88] : memref<128x1x768xf32, #tpu.memory_space<vmem>> -> memref<32x1x768xf32, #tpu.memory_space<vmem>>
    %dma_wait3A_90 = arith.constant 32 : i32
    %dma_wait3A_91 = tpu.memref_slice %arg5[%dma_wait3A_90] : memref<512xi32, #tpu.memory_space<vmem>> -> memref<32xi32, #tpu.memory_space<vmem>>
    %dma_wait3A_92 = arith.constant 0 : i32
    %dma_wait3A_93 = arith.constant 0 : i32
    %dma_wait3A_94 = arith.constant 0 : i32
    %dma_wait3A_95 = tpu.memref_slice %arg3[%dma_wait3A_92, %dma_wait3A_93, %dma_wait3A_94] : memref<100000x1x768xf32, #tpu.memory_space<hbm>> -> memref<100000x1x768xf32, #tpu.memory_space<hbm>>
    %dma_wait3A_96 = tpu.memref_slice %arg7[%dma_wait3A_85] : memref<4x!tpu.dma_semaphore, #tpu.memory_space<semaphore_mem>> -> memref<1x!tpu.dma_semaphore, #tpu.memory_space<semaphore_mem>>
    %dma_wait3A_97 = tpu.memref_squeeze %dma_wait3A_96 : memref<1x!tpu.dma_semaphore, #tpu.memory_space<semaphore_mem>> -> memref<!tpu.dma_semaphore, #tpu.memory_space<semaphore_mem>>
    tpu.wait_indirect_dma semaphore(%dma_wait3A_97 : memref<!tpu.dma_semaphore, #tpu.memory_space<semaphore_mem>>) src(%dma_wait3A_95 : memref<100000x1x768xf32, #tpu.memory_space<hbm>>) dst(%dma_wait3A_89 : memref<32x1x768xf32, #tpu.memory_space<vmem>>)
    %add3A_98 = arith.constant 32 : i32
    %add3A_99 = arith.addi %mul3A_2, %add3A_98 : i32
    %dma_start3A_100 = arith.constant 1 : i32
    %dma_start3A_101 = arith.constant 32 : i32
    %dma_start3A_102 = arith.constant 0 : i32
    %dma_start3A_103 = arith.constant 0 : i32
    %dma_start3A_104 = tpu.memref_slice %arg6[%dma_start3A_101, %dma_start3A_102, %dma_start3A_103] : memref<128x1x768xf32, #tpu.memory_space<vmem>> -> memref<32x1x768xf32, #tpu.memory_space<vmem>>
    %dma_start3A_105 = arith.constant 0 : i32
    %dma_start3A_106 = arith.constant 0 : i32
    %dma_start3A_107 = tpu.memref_slice %arg4[%add3A_99, %dma_start3A_105, %dma_start3A_106] : memref<16384x1x768xf32, #tpu.memory_space<hbm>> -> memref<32x1x768xf32, #tpu.memory_space<hbm>>
    %dma_start3A_108 = tpu.memref_slice %arg8[%dma_start3A_100] : memref<4x!tpu.dma_semaphore, #tpu.memory_space<semaphore_mem>> -> memref<1x!tpu.dma_semaphore, #tpu.memory_space<semaphore_mem>>
    %dma_start3A_109 = tpu.memref_squeeze %dma_start3A_108 : memref<1x!tpu.dma_semaphore, #tpu.memory_space<semaphore_mem>> -> memref<!tpu.dma_semaphore, #tpu.memory_space<semaphore_mem>>
    %dma_start3A_110 = arith.constant 0 : i32
    %dma_start3A_111 = arith.constant 0 : i32
    %dma_start3A_112 = tpu.memref_slice %arg4[%add3A_99, %dma_start3A_110, %dma_start3A_111] : memref<16384x1x768xf32, #tpu.memory_space<hbm>> -> memref<32x1x768xf32, #tpu.memory_space<hbm>>
    %dma_start3A_113 = arith.constant 32 : i32
    %dma_start3A_114 = arith.constant 0 : i32
    %dma_start3A_115 = arith.constant 0 : i32
    %dma_start3A_116 = tpu.memref_slice %arg6[%dma_start3A_113, %dma_start3A_114, %dma_start3A_115] : memref<128x1x768xf32, #tpu.memory_space<vmem>> -> memref<32x1x768xf32, #tpu.memory_space<vmem>>
    tpu.enqueue_dma source(%dma_start3A_116 : memref<32x1x768xf32, #tpu.memory_space<vmem>>) target(%dma_start3A_112 : memref<32x1x768xf32, #tpu.memory_space<hbm>>) target_semaphore(%dma_start3A_109 : memref<!tpu.dma_semaphore, #tpu.memory_space<semaphore_mem>>)
    %dma_wait3A_117 = arith.constant 0 : i32
    %dma_wait3A_118 = arith.constant 0 : i32
    %dma_wait3A_119 = arith.constant 0 : i32
    %dma_wait3A_120 = arith.constant 0 : i32
    %dma_wait3A_121 = tpu.memref_slice %arg6[%dma_wait3A_118, %dma_wait3A_119, %dma_wait3A_120] : memref<128x1x768xf32, #tpu.memory_space<vmem>> -> memref<32x1x768xf32, #tpu.memory_space<vmem>>
    %dma_wait3A_122 = arith.constant 0 : i32
    %dma_wait3A_123 = arith.constant 0 : i32
    %dma_wait3A_124 = tpu.memref_slice %arg4[%add3A_54, %dma_wait3A_122, %dma_wait3A_123] : memref<16384x1x768xf32, #tpu.memory_space<hbm>> -> memref<32x1x768xf32, #tpu.memory_space<hbm>>
    %dma_wait3A_125 = tpu.memref_slice %arg8[%dma_wait3A_117] : memref<4x!tpu.dma_semaphore, #tpu.memory_space<semaphore_mem>> -> memref<1x!tpu.dma_semaphore, #tpu.memory_space<semaphore_mem>>
    %dma_wait3A_126 = tpu.memref_squeeze %dma_wait3A_125 : memref<1x!tpu.dma_semaphore, #tpu.memory_space<semaphore_mem>> -> memref<!tpu.dma_semaphore, #tpu.memory_space<semaphore_mem>>
    %dma_wait3A_127 = arith.constant 0 : i32
    %dma_wait3A_128 = arith.constant 0 : i32
    %dma_wait3A_129 = tpu.memref_slice %arg4[%add3A_54, %dma_wait3A_127, %dma_wait3A_128] : memref<16384x1x768xf32, #tpu.memory_space<hbm>> -> memref<32x1x768xf32, #tpu.memory_space<hbm>>
    %dma_wait3A_130 = arith.constant 0 : i32
    %dma_wait3A_131 = arith.constant 0 : i32
    %dma_wait3A_132 = arith.constant 0 : i32
    %dma_wait3A_133 = tpu.memref_slice %arg6[%dma_wait3A_130, %dma_wait3A_131, %dma_wait3A_132] : memref<128x1x768xf32, #tpu.memory_space<vmem>> -> memref<32x1x768xf32, #tpu.memory_space<vmem>>
    tpu.wait_dma2 semaphore(%dma_wait3A_126 : memref<!tpu.dma_semaphore, #tpu.memory_space<semaphore_mem>>) src(%dma_wait3A_133 : memref<32x1x768xf32, #tpu.memory_space<vmem>>) dst(%dma_wait3A_129 : memref<32x1x768xf32, #tpu.memory_space<hbm>>)
    %dma_start3A_134 = arith.constant 0 : i32
    %dma_start3A_135 = arith.constant 0 : i32
    %dma_start3A_136 = arith.constant 0 : i32
    %dma_start3A_137 = arith.constant 0 : i32
    %dma_start3A_138 = tpu.memref_slice %arg6[%dma_start3A_135, %dma_start3A_136, %dma_start3A_137] : memref<128x1x768xf32, #tpu.memory_space<vmem>> -> memref<32x1x768xf32, #tpu.memory_space<vmem>>
    %dma_start3A_139 = arith.constant 128 : i32
    %dma_start3A_140 = tpu.memref_slice %arg5[%dma_start3A_139] : memref<512xi32, #tpu.memory_space<vmem>> -> memref<32xi32, #tpu.memory_space<vmem>>
    %dma_start3A_141 = arith.constant 0 : i32
    %dma_start3A_142 = arith.constant 0 : i32
    %dma_start3A_143 = arith.constant 0 : i32
    %dma_start3A_144 = tpu.memref_slice %arg3[%dma_start3A_141, %dma_start3A_142, %dma_start3A_143] : memref<100000x1x768xf32, #tpu.memory_space<hbm>> -> memref<100000x1x768xf32, #tpu.memory_space<hbm>>
    %dma_start3A_145 = tpu.memref_slice %arg7[%dma_start3A_134] : memref<4x!tpu.dma_semaphore, #tpu.memory_space<semaphore_mem>> -> memref<1x!tpu.dma_semaphore, #tpu.memory_space<semaphore_mem>>
    %dma_start3A_146 = tpu.memref_squeeze %dma_start3A_145 : memref<1x!tpu.dma_semaphore, #tpu.memory_space<semaphore_mem>> -> memref<!tpu.dma_semaphore, #tpu.memory_space<semaphore_mem>>
    tpu.enqueue_indirect_dma source(%dma_start3A_144 : memref<100000x1x768xf32, #tpu.memory_space<hbm>>) target(%dma_start3A_138 : memref<32x1x768xf32, #tpu.memory_space<vmem>>) offsets(%dma_start3A_140 : memref<32xi32, #tpu.memory_space<vmem>>) semaphore(%dma_start3A_146 : memref<!tpu.dma_semaphore, #tpu.memory_space<semaphore_mem>>)
    %dma_wait3A_147 = arith.constant 2 : i32
    %dma_wait3A_148 = arith.constant 64 : i32
    %dma_wait3A_149 = arith.constant 0 : i32
    %dma_wait3A_150 = arith.constant 0 : i32
    %dma_wait3A_151 = tpu.memref_slice %arg6[%dma_wait3A_148, %dma_wait3A_149, %dma_wait3A_150] : memref<128x1x768xf32, #tpu.memory_space<vmem>> -> memref<32x1x768xf32, #tpu.memory_space<vmem>>
    %dma_wait3A_152 = arith.constant 64 : i32
    %dma_wait3A_153 = tpu.memref_slice %arg5[%dma_wait3A_152] : memref<512xi32, #tpu.memory_space<vmem>> -> memref<32xi32, #tpu.memory_space<vmem>>
    %dma_wait3A_154 = arith.constant 0 : i32
    %dma_wait3A_155 = arith.constant 0 : i32
    %dma_wait3A_156 = arith.constant 0 : i32
    %dma_wait3A_157 = tpu.memref_slice %arg3[%dma_wait3A_154, %dma_wait3A_155, %dma_wait3A_156] : memref<100000x1x768xf32, #tpu.memory_space<hbm>> -> memref<100000x1x768xf32, #tpu.memory_space<hbm>>
    %dma_wait3A_158 = tpu.memref_slice %arg7[%dma_wait3A_147] : memref<4x!tpu.dma_semaphore, #tpu.memory_space<semaphore_mem>> -> memref<1x!tpu.dma_semaphore, #tpu.memory_space<semaphore_mem>>
    %dma_wait3A_159 = tpu.memref_squeeze %dma_wait3A_158 : memref<1x!tpu.dma_semaphore, #tpu.memory_space<semaphore_mem>> -> memref<!tpu.dma_semaphore, #tpu.memory_space<semaphore_mem>>
    tpu.wait_indirect_dma semaphore(%dma_wait3A_159 : memref<!tpu.dma_semaphore, #tpu.memory_space<semaphore_mem>>) src(%dma_wait3A_157 : memref<100000x1x768xf32, #tpu.memory_space<hbm>>) dst(%dma_wait3A_151 : memref<32x1x768xf32, #tpu.memory_space<vmem>>)
    %add3A_160 = arith.constant 64 : i32
    %add3A_161 = arith.addi %mul3A_2, %add3A_160 : i32
    %dma_start3A_162 = arith.constant 2 : i32
    %dma_start3A_163 = arith.constant 64 : i32
    %dma_start3A_164 = arith.constant 0 : i32
    %dma_start3A_165 = arith.constant 0 : i32
    %dma_start3A_166 = tpu.memref_slice %arg6[%dma_start3A_163, %dma_start3A_164, %dma_start3A_165] : memref<128x1x768xf32, #tpu.memory_space<vmem>> -> memref<32x1x768xf32, #tpu.memory_space<vmem>>
    %dma_start3A_167 = arith.constant 0 : i32
    %dma_start3A_168 = arith.constant 0 : i32
    %dma_start3A_169 = tpu.memref_slice %arg4[%add3A_161, %dma_start3A_167, %dma_start3A_168] : memref<16384x1x768xf32, #tpu.memory_space<hbm>> -> memref<32x1x768xf32, #tpu.memory_space<hbm>>
    %dma_start3A_170 = tpu.memref_slice %arg8[%dma_start3A_162] : memref<4x!tpu.dma_semaphore, #tpu.memory_space<semaphore_mem>> -> memref<1x!tpu.dma_semaphore, #tpu.memory_space<semaphore_mem>>
    %dma_start3A_171 = tpu.memref_squeeze %dma_start3A_170 : memref<1x!tpu.dma_semaphore, #tpu.memory_space<semaphore_mem>> -> memref<!tpu.dma_semaphore, #tpu.memory_space<semaphore_mem>>
    %dma_start3A_172 = arith.constant 0 : i32
    %dma_start3A_173 = arith.constant 0 : i32
    %dma_start3A_174 = tpu.memref_slice %arg4[%add3A_161, %dma_start3A_172, %dma_start3A_173] : memref<16384x1x768xf32, #tpu.memory_space<hbm>> -> memref<32x1x768xf32, #tpu.memory_space<hbm>>
    %dma_start3A_175 = arith.constant 64 : i32
    %dma_start3A_176 = arith.constant 0 : i32
    %dma_start3A_177 = arith.constant 0 : i32
    %dma_start3A_178 = tpu.memref_slice %arg6[%dma_start3A_175, %dma_start3A_176, %dma_start3A_177] : memref<128x1x768xf32, #tpu.memory_space<vmem>> -> memref<32x1x768xf32, #tpu.memory_space<vmem>>
    tpu.enqueue_dma source(%dma_start3A_178 : memref<32x1x768xf32, #tpu.memory_space<vmem>>) target(%dma_start3A_174 : memref<32x1x768xf32, #tpu.memory_space<hbm>>) target_semaphore(%dma_start3A_171 : memref<!tpu.dma_semaphore, #tpu.memory_space<semaphore_mem>>)
    %dma_wait3A_179 = arith.constant 1 : i32
    %dma_wait3A_180 = arith.constant 32 : i32
    %dma_wait3A_181 = arith.constant 0 : i32
    %dma_wait3A_182 = arith.constant 0 : i32
    %dma_wait3A_183 = tpu.memref_slice %arg6[%dma_wait3A_180, %dma_wait3A_181, %dma_wait3A_182] : memref<128x1x768xf32, #tpu.memory_space<vmem>> -> memref<32x1x768xf32, #tpu.memory_space<vmem>>
    %dma_wait3A_184 = arith.constant 0 : i32
    %dma_wait3A_185 = arith.constant 0 : i32
    %dma_wait3A_186 = tpu.memref_slice %arg4[%add3A_99, %dma_wait3A_184, %dma_wait3A_185] : memref<16384x1x768xf32, #tpu.memory_space<hbm>> -> memref<32x1x768xf32, #tpu.memory_space<hbm>>
    %dma_wait3A_187 = tpu.memref_slice %arg8[%dma_wait3A_179] : memref<4x!tpu.dma_semaphore, #tpu.memory_space<semaphore_mem>> -> memref<1x!tpu.dma_semaphore, #tpu.memory_space<semaphore_mem>>
    %dma_wait3A_188 = tpu.memref_squeeze %dma_wait3A_187 : memref<1x!tpu.dma_semaphore, #tpu.memory_space<semaphore_mem>> -> memref<!tpu.dma_semaphore, #tpu.memory_space<semaphore_mem>>
    %dma_wait3A_189 = arith.constant 0 : i32
    %dma_wait3A_190 = arith.constant 0 : i32
    %dma_wait3A_191 = tpu.memref_slice %arg4[%add3A_99, %dma_wait3A_189, %dma_wait3A_190] : memref<16384x1x768xf32, #tpu.memory_space<hbm>> -> memref<32x1x768xf32, #tpu.memory_space<hbm>>
    %dma_wait3A_192 = arith.constant 32 : i32
    %dma_wait3A_193 = arith.constant 0 : i32
    %dma_wait3A_194 = arith.constant 0 : i32
    %dma_wait3A_195 = tpu.memref_slice %arg6[%dma_wait3A_192, %dma_wait3A_193, %dma_wait3A_194] : memref<128x1x768xf32, #tpu.memory_space<vmem>> -> memref<32x1x768xf32, #tpu.memory_space<vmem>>
    tpu.wait_dma2 semaphore(%dma_wait3A_188 : memref<!tpu.dma_semaphore, #tpu.memory_space<semaphore_mem>>) src(%dma_wait3A_195 : memref<32x1x768xf32, #tpu.memory_space<vmem>>) dst(%dma_wait3A_191 : memref<32x1x768xf32, #tpu.memory_space<hbm>>)
    %dma_start3A_196 = arith.constant 1 : i32
    %dma_start3A_197 = arith.constant 32 : i32
    %dma_start3A_198 = arith.constant 0 : i32
    %dma_start3A_199 = arith.constant 0 : i32
    %dma_start3A_200 = tpu.memref_slice %arg6[%dma_start3A_197, %dma_start3A_198, %dma_start3A_199] : memref<128x1x768xf32, #tpu.memory_space<vmem>> -> memref<32x1x768xf32, #tpu.memory_space<vmem>>
    %dma_start3A_201 = arith.constant 160 : i32
    %dma_start3A_202 = tpu.memref_slice %arg5[%dma_start3A_201] : memref<512xi32, #tpu.memory_space<vmem>> -> memref<32xi32, #tpu.memory_space<vmem>>
    %dma_start3A_203 = arith.constant 0 : i32
    %dma_start3A_204 = arith.constant 0 : i32
    %dma_start3A_205 = arith.constant 0 : i32
    %dma_start3A_206 = tpu.memref_slice %arg3[%dma_start3A_203, %dma_start3A_204, %dma_start3A_205] : memref<100000x1x768xf32, #tpu.memory_space<hbm>> -> memref<100000x1x768xf32, #tpu.memory_space<hbm>>
    %dma_start3A_207 = tpu.memref_slice %arg7[%dma_start3A_196] : memref<4x!tpu.dma_semaphore, #tpu.memory_space<semaphore_mem>> -> memref<1x!tpu.dma_semaphore, #tpu.memory_space<semaphore_mem>>
    %dma_start3A_208 = tpu.memref_squeeze %dma_start3A_207 : memref<1x!tpu.dma_semaphore, #tpu.memory_space<semaphore_mem>> -> memref<!tpu.dma_semaphore, #tpu.memory_space<semaphore_mem>>
    tpu.enqueue_indirect_dma source(%dma_start3A_206 : memref<100000x1x768xf32, #tpu.memory_space<hbm>>) target(%dma_start3A_200 : memref<32x1x768xf32, #tpu.memory_space<vmem>>) offsets(%dma_start3A_202 : memref<32xi32, #tpu.memory_space<vmem>>) semaphore(%dma_start3A_208 : memref<!tpu.dma_semaphore, #tpu.memory_space<semaphore_mem>>)
    %dma_wait3A_209 = arith.constant 3 : i32
    %dma_wait3A_210 = arith.constant 96 : i32
    %dma_wait3A_211 = arith.constant 0 : i32
    %dma_wait3A_212 = arith.constant 0 : i32
    %dma_wait3A_213 = tpu.memref_slice %arg6[%dma_wait3A_210, %dma_wait3A_211, %dma_wait3A_212] : memref<128x1x768xf32, #tpu.memory_space<vmem>> -> memref<32x1x768xf32, #tpu.memory_space<vmem>>
    %dma_wait3A_214 = arith.constant 96 : i32
    %dma_wait3A_215 = tpu.memref_slice %arg5[%dma_wait3A_214] : memref<512xi32, #tpu.memory_space<vmem>> -> memref<32xi32, #tpu.memory_space<vmem>>
    %dma_wait3A_216 = arith.constant 0 : i32
    %dma_wait3A_217 = arith.constant 0 : i32
    %dma_wait3A_218 = arith.constant 0 : i32
    %dma_wait3A_219 = tpu.memref_slice %arg3[%dma_wait3A_216, %dma_wait3A_217, %dma_wait3A_218] : memref<100000x1x768xf32, #tpu.memory_space<hbm>> -> memref<100000x1x768xf32, #tpu.memory_space<hbm>>
    %dma_wait3A_220 = tpu.memref_slice %arg7[%dma_wait3A_209] : memref<4x!tpu.dma_semaphore, #tpu.memory_space<semaphore_mem>> -> memref<1x!tpu.dma_semaphore, #tpu.memory_space<semaphore_mem>>
    %dma_wait3A_221 = tpu.memref_squeeze %dma_wait3A_220 : memref<1x!tpu.dma_semaphore, #tpu.memory_space<semaphore_mem>> -> memref<!tpu.dma_semaphore, #tpu.memory_space<semaphore_mem>>
    tpu.wait_indirect_dma semaphore(%dma_wait3A_221 : memref<!tpu.dma_semaphore, #tpu.memory_space<semaphore_mem>>) src(%dma_wait3A_219 : memref<100000x1x768xf32, #tpu.memory_space<hbm>>) dst(%dma_wait3A_213 : memref<32x1x768xf32, #tpu.memory_space<vmem>>)
    %add3A_222 = arith.constant 96 : i32
    %add3A_223 = arith.addi %mul3A_2, %add3A_222 : i32
    %dma_start3A_224 = arith.constant 3 : i32
    %dma_start3A_225 = arith.constant 96 : i32
    %dma_start3A_226 = arith.constant 0 : i32
    %dma_start3A_227 = arith.constant 0 : i32
    %dma_start3A_228 = tpu.memref_slice %arg6[%dma_start3A_225, %dma_start3A_226, %dma_start3A_227] : memref<128x1x768xf32, #tpu.memory_space<vmem>> -> memref<32x1x768xf32, #tpu.memory_space<vmem>>
    %dma_start3A_229 = arith.constant 0 : i32
    %dma_start3A_230 = arith.constant 0 : i32
    %dma_start3A_231 = tpu.memref_slice %arg4[%add3A_223, %dma_start3A_229, %dma_start3A_230] : memref<16384x1x768xf32, #tpu.memory_space<hbm>> -> memref<32x1x768xf32, #tpu.memory_space<hbm>>
    %dma_start3A_232 = tpu.memref_slice %arg8[%dma_start3A_224] : memref<4x!tpu.dma_semaphore, #tpu.memory_space<semaphore_mem>> -> memref<1x!tpu.dma_semaphore, #tpu.memory_space<semaphore_mem>>
    %dma_start3A_233 = tpu.memref_squeeze %dma_start3A_232 : memref<1x!tpu.dma_semaphore, #tpu.memory_space<semaphore_mem>> -> memref<!tpu.dma_semaphore, #tpu.memory_space<semaphore_mem>>
    %dma_start3A_234 = arith.constant 0 : i32
    %dma_start3A_235 = arith.constant 0 : i32
    %dma_start3A_236 = tpu.memref_slice %arg4[%add3A_223, %dma_start3A_234, %dma_start3A_235] : memref<16384x1x768xf32, #tpu.memory_space<hbm>> -> memref<32x1x768xf32, #tpu.memory_space<hbm>>
    %dma_start3A_237 = arith.constant 96 : i32
    %dma_start3A_238 = arith.constant 0 : i32
    %dma_start3A_239 = arith.constant 0 : i32
    %dma_start3A_240 = tpu.memref_slice %arg6[%dma_start3A_237, %dma_start3A_238, %dma_start3A_239] : memref<128x1x768xf32, #tpu.memory_space<vmem>> -> memref<32x1x768xf32, #tpu.memory_space<vmem>>
    tpu.enqueue_dma source(%dma_start3A_240 : memref<32x1x768xf32, #tpu.memory_space<vmem>>) target(%dma_start3A_236 : memref<32x1x768xf32, #tpu.memory_space<hbm>>) target_semaphore(%dma_start3A_233 : memref<!tpu.dma_semaphore, #tpu.memory_space<semaphore_mem>>)
    %dma_wait3A_241 = arith.constant 2 : i32
    %dma_wait3A_242 = arith.constant 64 : i32
    %dma_wait3A_243 = arith.constant 0 : i32
    %dma_wait3A_244 = arith.constant 0 : i32
    %dma_wait3A_245 = tpu.memref_slice %arg6[%dma_wait3A_242, %dma_wait3A_243, %dma_wait3A_244] : memref<128x1x768xf32, #tpu.memory_space<vmem>> -> memref<32x1x768xf32, #tpu.memory_space<vmem>>
    %dma_wait3A_246 = arith.constant 0 : i32
    %dma_wait3A_247 = arith.constant 0 : i32
    %dma_wait3A_248 = tpu.memref_slice %arg4[%add3A_161, %dma_wait3A_246, %dma_wait3A_247] : memref<16384x1x768xf32, #tpu.memory_space<hbm>> -> memref<32x1x768xf32, #tpu.memory_space<hbm>>
    %dma_wait3A_249 = tpu.memref_slice %arg8[%dma_wait3A_241] : memref<4x!tpu.dma_semaphore, #tpu.memory_space<semaphore_mem>> -> memref<1x!tpu.dma_semaphore, #tpu.memory_space<semaphore_mem>>
    %dma_wait3A_250 = tpu.memref_squeeze %dma_wait3A_249 : memref<1x!tpu.dma_semaphore, #tpu.memory_space<semaphore_mem>> -> memref<!tpu.dma_semaphore, #tpu.memory_space<semaphore_mem>>
    %dma_wait3A_251 = arith.constant 0 : i32
    %dma_wait3A_252 = arith.constant 0 : i32
    %dma_wait3A_253 = tpu.memref_slice %arg4[%add3A_161, %dma_wait3A_251, %dma_wait3A_252] : memref<16384x1x768xf32, #tpu.memory_space<hbm>> -> memref<32x1x768xf32, #tpu.memory_space<hbm>>
    %dma_wait3A_254 = arith.constant 64 : i32
    %dma_wait3A_255 = arith.constant 0 : i32
    %dma_wait3A_256 = arith.constant 0 : i32
    %dma_wait3A_257 = tpu.memref_slice %arg6[%dma_wait3A_254, %dma_wait3A_255, %dma_wait3A_256] : memref<128x1x768xf32, #tpu.memory_space<vmem>> -> memref<32x1x768xf32, #tpu.memory_space<vmem>>
    tpu.wait_dma2 semaphore(%dma_wait3A_250 : memref<!tpu.dma_semaphore, #tpu.memory_space<semaphore_mem>>) src(%dma_wait3A_257 : memref<32x1x768xf32, #tpu.memory_space<vmem>>) dst(%dma_wait3A_253 : memref<32x1x768xf32, #tpu.memory_space<hbm>>)
    %dma_start3A_258 = arith.constant 2 : i32
    %dma_start3A_259 = arith.constant 64 : i32
    %dma_start3A_260 = arith.constant 0 : i32
    %dma_start3A_261 = arith.constant 0 : i32
    %dma_start3A_262 = tpu.memref_slice %arg6[%dma_start3A_259, %dma_start3A_260, %dma_start3A_261] : memref<128x1x768xf32, #tpu.memory_space<vmem>> -> memref<32x1x768xf32, #tpu.memory_space<vmem>>
    %dma_start3A_263 = arith.constant 192 : i32
    %dma_start3A_264 = tpu.memref_slice %arg5[%dma_start3A_263] : memref<512xi32, #tpu.memory_space<vmem>> -> memref<32xi32, #tpu.memory_space<vmem>>
    %dma_start3A_265 = arith.constant 0 : i32
    %dma_start3A_266 = arith.constant 0 : i32
    %dma_start3A_267 = arith.constant 0 : i32
    %dma_start3A_268 = tpu.memref_slice %arg3[%dma_start3A_265, %dma_start3A_266, %dma_start3A_267] : memref<100000x1x768xf32, #tpu.memory_space<hbm>> -> memref<100000x1x768xf32, #tpu.memory_space<hbm>>
    %dma_start3A_269 = tpu.memref_slice %arg7[%dma_start3A_258] : memref<4x!tpu.dma_semaphore, #tpu.memory_space<semaphore_mem>> -> memref<1x!tpu.dma_semaphore, #tpu.memory_space<semaphore_mem>>
    %dma_start3A_270 = tpu.memref_squeeze %dma_start3A_269 : memref<1x!tpu.dma_semaphore, #tpu.memory_space<semaphore_mem>> -> memref<!tpu.dma_semaphore, #tpu.memory_space<semaphore_mem>>
    tpu.enqueue_indirect_dma source(%dma_start3A_268 : memref<100000x1x768xf32, #tpu.memory_space<hbm>>) target(%dma_start3A_262 : memref<32x1x768xf32, #tpu.memory_space<vmem>>) offsets(%dma_start3A_264 : memref<32xi32, #tpu.memory_space<vmem>>) semaphore(%dma_start3A_270 : memref<!tpu.dma_semaphore, #tpu.memory_space<semaphore_mem>>)
    %dma_wait3A_271 = arith.constant 0 : i32
    %dma_wait3A_272 = arith.constant 0 : i32
    %dma_wait3A_273 = arith.constant 0 : i32
    %dma_wait3A_274 = arith.constant 0 : i32
    %dma_wait3A_275 = tpu.memref_slice %arg6[%dma_wait3A_272, %dma_wait3A_273, %dma_wait3A_274] : memref<128x1x768xf32, #tpu.memory_space<vmem>> -> memref<32x1x768xf32, #tpu.memory_space<vmem>>
    %dma_wait3A_276 = arith.constant 128 : i32
    %dma_wait3A_277 = tpu.memref_slice %arg5[%dma_wait3A_276] : memref<512xi32, #tpu.memory_space<vmem>> -> memref<32xi32, #tpu.memory_space<vmem>>
    %dma_wait3A_278 = arith.constant 0 : i32
    %dma_wait3A_279 = arith.constant 0 : i32
    %dma_wait3A_280 = arith.constant 0 : i32
    %dma_wait3A_281 = tpu.memref_slice %arg3[%dma_wait3A_278, %dma_wait3A_279, %dma_wait3A_280] : memref<100000x1x768xf32, #tpu.memory_space<hbm>> -> memref<100000x1x768xf32, #tpu.memory_space<hbm>>
    %dma_wait3A_282 = tpu.memref_slice %arg7[%dma_wait3A_271] : memref<4x!tpu.dma_semaphore, #tpu.memory_space<semaphore_mem>> -> memref<1x!tpu.dma_semaphore, #tpu.memory_space<semaphore_mem>>
    %dma_wait3A_283 = tpu.memref_squeeze %dma_wait3A_282 : memref<1x!tpu.dma_semaphore, #tpu.memory_space<semaphore_mem>> -> memref<!tpu.dma_semaphore, #tpu.memory_space<semaphore_mem>>
    tpu.wait_indirect_dma semaphore(%dma_wait3A_283 : memref<!tpu.dma_semaphore, #tpu.memory_space<semaphore_mem>>) src(%dma_wait3A_281 : memref<100000x1x768xf32, #tpu.memory_space<hbm>>) dst(%dma_wait3A_275 : memref<32x1x768xf32, #tpu.memory_space<vmem>>)
    %add3A_284 = arith.constant 128 : i32
    %add3A_285 = arith.addi %mul3A_2, %add3A_284 : i32
    %dma_start3A_286 = arith.constant 0 : i32
    %dma_start3A_287 = arith.constant 0 : i32
    %dma_start3A_288 = arith.constant 0 : i32
    %dma_start3A_289 = arith.constant 0 : i32
    %dma_start3A_290 = tpu.memref_slice %arg6[%dma_start3A_287, %dma_start3A_288, %dma_start3A_289] : memref<128x1x768xf32, #tpu.memory_space<vmem>> -> memref<32x1x768xf32, #tpu.memory_space<vmem>>
    %dma_start3A_291 = arith.constant 0 : i32
    %dma_start3A_292 = arith.constant 0 : i32
    %dma_start3A_293 = tpu.memref_slice %arg4[%add3A_285, %dma_start3A_291, %dma_start3A_292] : memref<16384x1x768xf32, #tpu.memory_space<hbm>> -> memref<32x1x768xf32, #tpu.memory_space<hbm>>
    %dma_start3A_294 = tpu.memref_slice %arg8[%dma_start3A_286] : memref<4x!tpu.dma_semaphore, #tpu.memory_space<semaphore_mem>> -> memref<1x!tpu.dma_semaphore, #tpu.memory_space<semaphore_mem>>
    %dma_start3A_295 = tpu.memref_squeeze %dma_start3A_294 : memref<1x!tpu.dma_semaphore, #tpu.memory_space<semaphore_mem>> -> memref<!tpu.dma_semaphore, #tpu.memory_space<semaphore_mem>>
    %dma_start3A_296 = arith.constant 0 : i32
    %dma_start3A_297 = arith.constant 0 : i32
    %dma_start3A_298 = tpu.memref_slice %arg4[%add3A_285, %dma_start3A_296, %dma_start3A_297] : memref<16384x1x768xf32, #tpu.memory_space<hbm>> -> memref<32x1x768xf32, #tpu.memory_space<hbm>>
    %dma_start3A_299 = arith.constant 0 : i32
    %dma_start3A_300 = arith.constant 0 : i32
    %dma_start3A_301 = arith.constant 0 : i32
    %dma_start3A_302 = tpu.memref_slice %arg6[%dma_start3A_299, %dma_start3A_300, %dma_start3A_301] : memref<128x1x768xf32, #tpu.memory_space<vmem>> -> memref<32x1x768xf32, #tpu.memory_space<vmem>>
    tpu.enqueue_dma source(%dma_start3A_302 : memref<32x1x768xf32, #tpu.memory_space<vmem>>) target(%dma_start3A_298 : memref<32x1x768xf32, #tpu.memory_space<hbm>>) target_semaphore(%dma_start3A_295 : memref<!tpu.dma_semaphore, #tpu.memory_space<semaphore_mem>>)
    %dma_wait3A_303 = arith.constant 3 : i32
    %dma_wait3A_304 = arith.constant 96 : i32
    %dma_wait3A_305 = arith.constant 0 : i32
    %dma_wait3A_306 = arith.constant 0 : i32
    %dma_wait3A_307 = tpu.memref_slice %arg6[%dma_wait3A_304, %dma_wait3A_305, %dma_wait3A_306] : memref<128x1x768xf32, #tpu.memory_space<vmem>> -> memref<32x1x768xf32, #tpu.memory_space<vmem>>
    %dma_wait3A_308 = arith.constant 0 : i32
    %dma_wait3A_309 = arith.constant 0 : i32
    %dma_wait3A_310 = tpu.memref_slice %arg4[%add3A_223, %dma_wait3A_308, %dma_wait3A_309] : memref<16384x1x768xf32, #tpu.memory_space<hbm>> -> memref<32x1x768xf32, #tpu.memory_space<hbm>>
    %dma_wait3A_311 = tpu.memref_slice %arg8[%dma_wait3A_303] : memref<4x!tpu.dma_semaphore, #tpu.memory_space<semaphore_mem>> -> memref<1x!tpu.dma_semaphore, #tpu.memory_space<semaphore_mem>>
    %dma_wait3A_312 = tpu.memref_squeeze %dma_wait3A_311 : memref<1x!tpu.dma_semaphore, #tpu.memory_space<semaphore_mem>> -> memref<!tpu.dma_semaphore, #tpu.memory_space<semaphore_mem>>
    %dma_wait3A_313 = arith.constant 0 : i32
    %dma_wait3A_314 = arith.constant 0 : i32
    %dma_wait3A_315 = tpu.memref_slice %arg4[%add3A_223, %dma_wait3A_313, %dma_wait3A_314] : memref<16384x1x768xf32, #tpu.memory_space<hbm>> -> memref<32x1x768xf32, #tpu.memory_space<hbm>>
    %dma_wait3A_316 = arith.constant 96 : i32
    %dma_wait3A_317 = arith.constant 0 : i32
    %dma_wait3A_318 = arith.constant 0 : i32
    %dma_wait3A_319 = tpu.memref_slice %arg6[%dma_wait3A_316, %dma_wait3A_317, %dma_wait3A_318] : memref<128x1x768xf32, #tpu.memory_space<vmem>> -> memref<32x1x768xf32, #tpu.memory_space<vmem>>
    tpu.wait_dma2 semaphore(%dma_wait3A_312 : memref<!tpu.dma_semaphore, #tpu.memory_space<semaphore_mem>>) src(%dma_wait3A_319 : memref<32x1x768xf32, #tpu.memory_space<vmem>>) dst(%dma_wait3A_315 : memref<32x1x768xf32, #tpu.memory_space<hbm>>)
    %dma_start3A_320 = arith.constant 3 : i32
    %dma_start3A_321 = arith.constant 96 : i32
    %dma_start3A_322 = arith.constant 0 : i32
    %dma_start3A_323 = arith.constant 0 : i32
    %dma_start3A_324 = tpu.memref_slice %arg6[%dma_start3A_321, %dma_start3A_322, %dma_start3A_323] : memref<128x1x768xf32, #tpu.memory_space<vmem>> -> memref<32x1x768xf32, #tpu.memory_space<vmem>>
    %dma_start3A_325 = arith.constant 224 : i32
    %dma_start3A_326 = tpu.memref_slice %arg5[%dma_start3A_325] : memref<512xi32, #tpu.memory_space<vmem>> -> memref<32xi32, #tpu.memory_space<vmem>>
    %dma_start3A_327 = arith.constant 0 : i32
    %dma_start3A_328 = arith.constant 0 : i32
    %dma_start3A_329 = arith.constant 0 : i32
    %dma_start3A_330 = tpu.memref_slice %arg3[%dma_start3A_327, %dma_start3A_328, %dma_start3A_329] : memref<100000x1x768xf32, #tpu.memory_space<hbm>> -> memref<100000x1x768xf32, #tpu.memory_space<hbm>>
    %dma_start3A_331 = tpu.memref_slice %arg7[%dma_start3A_320] : memref<4x!tpu.dma_semaphore, #tpu.memory_space<semaphore_mem>> -> memref<1x!tpu.dma_semaphore, #tpu.memory_space<semaphore_mem>>
    %dma_start3A_332 = tpu.memref_squeeze %dma_start3A_331 : memref<1x!tpu.dma_semaphore, #tpu.memory_space<semaphore_mem>> -> memref<!tpu.dma_semaphore, #tpu.memory_space<semaphore_mem>>
    tpu.enqueue_indirect_dma source(%dma_start3A_330 : memref<100000x1x768xf32, #tpu.memory_space<hbm>>) target(%dma_start3A_324 : memref<32x1x768xf32, #tpu.memory_space<vmem>>) offsets(%dma_start3A_326 : memref<32xi32, #tpu.memory_space<vmem>>) semaphore(%dma_start3A_332 : memref<!tpu.dma_semaphore, #tpu.memory_space<semaphore_mem>>)
    %dma_wait3A_333 = arith.constant 1 : i32
    %dma_wait3A_334 = arith.constant 32 : i32
    %dma_wait3A_335 = arith.constant 0 : i32
    %dma_wait3A_336 = arith.constant 0 : i32
    %dma_wait3A_337 = tpu.memref_slice %arg6[%dma_wait3A_334, %dma_wait3A_335, %dma_wait3A_336] : memref<128x1x768xf32, #tpu.memory_space<vmem>> -> memref<32x1x768xf32, #tpu.memory_space<vmem>>
    %dma_wait3A_338 = arith.constant 160 : i32
    %dma_wait3A_339 = tpu.memref_slice %arg5[%dma_wait3A_338] : memref<512xi32, #tpu.memory_space<vmem>> -> memref<32xi32, #tpu.memory_space<vmem>>
    %dma_wait3A_340 = arith.constant 0 : i32
    %dma_wait3A_341 = arith.constant 0 : i32
    %dma_wait3A_342 = arith.constant 0 : i32
    %dma_wait3A_343 = tpu.memref_slice %arg3[%dma_wait3A_340, %dma_wait3A_341, %dma_wait3A_342] : memref<100000x1x768xf32, #tpu.memory_space<hbm>> -> memref<100000x1x768xf32, #tpu.memory_space<hbm>>
    %dma_wait3A_344 = tpu.memref_slice %arg7[%dma_wait3A_333] : memref<4x!tpu.dma_semaphore, #tpu.memory_space<semaphore_mem>> -> memref<1x!tpu.dma_semaphore, #tpu.memory_space<semaphore_mem>>
    %dma_wait3A_345 = tpu.memref_squeeze %dma_wait3A_344 : memref<1x!tpu.dma_semaphore, #tpu.memory_space<semaphore_mem>> -> memref<!tpu.dma_semaphore, #tpu.memory_space<semaphore_mem>>
    tpu.wait_indirect_dma semaphore(%dma_wait3A_345 : memref<!tpu.dma_semaphore, #tpu.memory_space<semaphore_mem>>) src(%dma_wait3A_343 : memref<100000x1x768xf32, #tpu.memory_space<hbm>>) dst(%dma_wait3A_337 : memref<32x1x768xf32, #tpu.memory_space<vmem>>)
    %add3A_346 = arith.constant 160 : i32
    %add3A_347 = arith.addi %mul3A_2, %add3A_346 : i32
    %dma_start3A_348 = arith.constant 1 : i32
    %dma_start3A_349 = arith.constant 32 : i32
    %dma_start3A_350 = arith.constant 0 : i32
    %dma_start3A_351 = arith.constant 0 : i32
    %dma_start3A_352 = tpu.memref_slice %arg6[%dma_start3A_349, %dma_start3A_350, %dma_start3A_351] : memref<128x1x768xf32, #tpu.memory_space<vmem>> -> memref<32x1x768xf32, #tpu.memory_space<vmem>>
    %dma_start3A_353 = arith.constant 0 : i32
    %dma_start3A_354 = arith.constant 0 : i32
    %dma_start3A_355 = tpu.memref_slice %arg4[%add3A_347, %dma_start3A_353, %dma_start3A_354] : memref<16384x1x768xf32, #tpu.memory_space<hbm>> -> memref<32x1x768xf32, #tpu.memory_space<hbm>>
    %dma_start3A_356 = tpu.memref_slice %arg8[%dma_start3A_348] : memref<4x!tpu.dma_semaphore, #tpu.memory_space<semaphore_mem>> -> memref<1x!tpu.dma_semaphore, #tpu.memory_space<semaphore_mem>>
    %dma_start3A_357 = tpu.memref_squeeze %dma_start3A_356 : memref<1x!tpu.dma_semaphore, #tpu.memory_space<semaphore_mem>> -> memref<!tpu.dma_semaphore, #tpu.memory_space<semaphore_mem>>
    %dma_start3A_358 = arith.constant 0 : i32
    %dma_start3A_359 = arith.constant 0 : i32
    %dma_start3A_360 = tpu.memref_slice %arg4[%add3A_347, %dma_start3A_358, %dma_start3A_359] : memref<16384x1x768xf32, #tpu.memory_space<hbm>> -> memref<32x1x768xf32, #tpu.memory_space<hbm>>
    %dma_start3A_361 = arith.constant 32 : i32
    %dma_start3A_362 = arith.constant 0 : i32
    %dma_start3A_363 = arith.constant 0 : i32
    %dma_start3A_364 = tpu.memref_slice %arg6[%dma_start3A_361, %dma_start3A_362, %dma_start3A_363] : memref<128x1x768xf32, #tpu.memory_space<vmem>> -> memref<32x1x768xf32, #tpu.memory_space<vmem>>
    tpu.enqueue_dma source(%dma_start3A_364 : memref<32x1x768xf32, #tpu.memory_space<vmem>>) target(%dma_start3A_360 : memref<32x1x768xf32, #tpu.memory_space<hbm>>) target_semaphore(%dma_start3A_357 : memref<!tpu.dma_semaphore, #tpu.memory_space<semaphore_mem>>)
    %dma_wait3A_365 = arith.constant 0 : i32
    %dma_wait3A_366 = arith.constant 0 : i32
    %dma_wait3A_367 = arith.constant 0 : i32
    %dma_wait3A_368 = arith.constant 0 : i32
    %dma_wait3A_369 = tpu.memref_slice %arg6[%dma_wait3A_366, %dma_wait3A_367, %dma_wait3A_368] : memref<128x1x768xf32, #tpu.memory_space<vmem>> -> memref<32x1x768xf32, #tpu.memory_space<vmem>>
    %dma_wait3A_370 = arith.constant 0 : i32
    %dma_wait3A_371 = arith.constant 0 : i32
    %dma_wait3A_372 = tpu.memref_slice %arg4[%add3A_285, %dma_wait3A_370, %dma_wait3A_371] : memref<16384x1x768xf32, #tpu.memory_space<hbm>> -> memref<32x1x768xf32, #tpu.memory_space<hbm>>
    %dma_wait3A_373 = tpu.memref_slice %arg8[%dma_wait3A_365] : memref<4x!tpu.dma_semaphore, #tpu.memory_space<semaphore_mem>> -> memref<1x!tpu.dma_semaphore, #tpu.memory_space<semaphore_mem>>
    %dma_wait3A_374 = tpu.memref_squeeze %dma_wait3A_373 : memref<1x!tpu.dma_semaphore, #tpu.memory_space<semaphore_mem>> -> memref<!tpu.dma_semaphore, #tpu.memory_space<semaphore_mem>>
    %dma_wait3A_375 = arith.constant 0 : i32
    %dma_wait3A_376 = arith.constant 0 : i32
    %dma_wait3A_377 = tpu.memref_slice %arg4[%add3A_285, %dma_wait3A_375, %dma_wait3A_376] : memref<16384x1x768xf32, #tpu.memory_space<hbm>> -> memref<32x1x768xf32, #tpu.memory_space<hbm>>
    %dma_wait3A_378 = arith.constant 0 : i32
    %dma_wait3A_379 = arith.constant 0 : i32
    %dma_wait3A_380 = arith.constant 0 : i32
    %dma_wait3A_381 = tpu.memref_slice %arg6[%dma_wait3A_378, %dma_wait3A_379, %dma_wait3A_380] : memref<128x1x768xf32, #tpu.memory_space<vmem>> -> memref<32x1x768xf32, #tpu.memory_space<vmem>>
    tpu.wait_dma2 semaphore(%dma_wait3A_374 : memref<!tpu.dma_semaphore, #tpu.memory_space<semaphore_mem>>) src(%dma_wait3A_381 : memref<32x1x768xf32, #tpu.memory_space<vmem>>) dst(%dma_wait3A_377 : memref<32x1x768xf32, #tpu.memory_space<hbm>>)
    %dma_start3A_382 = arith.constant 0 : i32
    %dma_start3A_383 = arith.constant 0 : i32
    %dma_start3A_384 = arith.constant 0 : i32
    %dma_start3A_385 = arith.constant 0 : i32
    %dma_start3A_386 = tpu.memref_slice %arg6[%dma_start3A_383, %dma_start3A_384, %dma_start3A_385] : memref<128x1x768xf32, #tpu.memory_space<vmem>> -> memref<32x1x768xf32, #tpu.memory_space<vmem>>
    %dma_start3A_387 = arith.constant 256 : i32
    %dma_start3A_388 = tpu.memref_slice %arg5[%dma_start3A_387] : memref<512xi32, #tpu.memory_space<vmem>> -> memref<32xi32, #tpu.memory_space<vmem>>
    %dma_start3A_389 = arith.constant 0 : i32
    %dma_start3A_390 = arith.constant 0 : i32
    %dma_start3A_391 = arith.constant 0 : i32
    %dma_start3A_392 = tpu.memref_slice %arg3[%dma_start3A_389, %dma_start3A_390, %dma_start3A_391] : memref<100000x1x768xf32, #tpu.memory_space<hbm>> -> memref<100000x1x768xf32, #tpu.memory_space<hbm>>
    %dma_start3A_393 = tpu.memref_slice %arg7[%dma_start3A_382] : memref<4x!tpu.dma_semaphore, #tpu.memory_space<semaphore_mem>> -> memref<1x!tpu.dma_semaphore, #tpu.memory_space<semaphore_mem>>
    %dma_start3A_394 = tpu.memref_squeeze %dma_start3A_393 : memref<1x!tpu.dma_semaphore, #tpu.memory_space<semaphore_mem>> -> memref<!tpu.dma_semaphore, #tpu.memory_space<semaphore_mem>>
    tpu.enqueue_indirect_dma source(%dma_start3A_392 : memref<100000x1x768xf32, #tpu.memory_space<hbm>>) target(%dma_start3A_386 : memref<32x1x768xf32, #tpu.memory_space<vmem>>) offsets(%dma_start3A_388 : memref<32xi32, #tpu.memory_space<vmem>>) semaphore(%dma_start3A_394 : memref<!tpu.dma_semaphore, #tpu.memory_space<semaphore_mem>>)
    %dma_wait3A_395 = arith.constant 2 : i32
    %dma_wait3A_396 = arith.constant 64 : i32
    %dma_wait3A_397 = arith.constant 0 : i32
    %dma_wait3A_398 = arith.constant 0 : i32
    %dma_wait3A_399 = tpu.memref_slice %arg6[%dma_wait3A_396, %dma_wait3A_397, %dma_wait3A_398] : memref<128x1x768xf32, #tpu.memory_space<vmem>> -> memref<32x1x768xf32, #tpu.memory_space<vmem>>
    %dma_wait3A_400 = arith.constant 192 : i32
    %dma_wait3A_401 = tpu.memref_slice %arg5[%dma_wait3A_400] : memref<512xi32, #tpu.memory_space<vmem>> -> memref<32xi32, #tpu.memory_space<vmem>>
    %dma_wait3A_402 = arith.constant 0 : i32
    %dma_wait3A_403 = arith.constant 0 : i32
    %dma_wait3A_404 = arith.constant 0 : i32
    %dma_wait3A_405 = tpu.memref_slice %arg3[%dma_wait3A_402, %dma_wait3A_403, %dma_wait3A_404] : memref<100000x1x768xf32, #tpu.memory_space<hbm>> -> memref<100000x1x768xf32, #tpu.memory_space<hbm>>
    %dma_wait3A_406 = tpu.memref_slice %arg7[%dma_wait3A_395] : memref<4x!tpu.dma_semaphore, #tpu.memory_space<semaphore_mem>> -> memref<1x!tpu.dma_semaphore, #tpu.memory_space<semaphore_mem>>
    %dma_wait3A_407 = tpu.memref_squeeze %dma_wait3A_406 : memref<1x!tpu.dma_semaphore, #tpu.memory_space<semaphore_mem>> -> memref<!tpu.dma_semaphore, #tpu.memory_space<semaphore_mem>>
    tpu.wait_indirect_dma semaphore(%dma_wait3A_407 : memref<!tpu.dma_semaphore, #tpu.memory_space<semaphore_mem>>) src(%dma_wait3A_405 : memref<100000x1x768xf32, #tpu.memory_space<hbm>>) dst(%dma_wait3A_399 : memref<32x1x768xf32, #tpu.memory_space<vmem>>)
    %add3A_408 = arith.constant 192 : i32
    %add3A_409 = arith.addi %mul3A_2, %add3A_408 : i32
    %dma_start3A_410 = arith.constant 2 : i32
    %dma_start3A_411 = arith.constant 64 : i32
    %dma_start3A_412 = arith.constant 0 : i32
    %dma_start3A_413 = arith.constant 0 : i32
    %dma_start3A_414 = tpu.memref_slice %arg6[%dma_start3A_411, %dma_start3A_412, %dma_start3A_413] : memref<128x1x768xf32, #tpu.memory_space<vmem>> -> memref<32x1x768xf32, #tpu.memory_space<vmem>>
    %dma_start3A_415 = arith.constant 0 : i32
    %dma_start3A_416 = arith.constant 0 : i32
    %dma_start3A_417 = tpu.memref_slice %arg4[%add3A_409, %dma_start3A_415, %dma_start3A_416] : memref<16384x1x768xf32, #tpu.memory_space<hbm>> -> memref<32x1x768xf32, #tpu.memory_space<hbm>>
    %dma_start3A_418 = tpu.memref_slice %arg8[%dma_start3A_410] : memref<4x!tpu.dma_semaphore, #tpu.memory_space<semaphore_mem>> -> memref<1x!tpu.dma_semaphore, #tpu.memory_space<semaphore_mem>>
    %dma_start3A_419 = tpu.memref_squeeze %dma_start3A_418 : memref<1x!tpu.dma_semaphore, #tpu.memory_space<semaphore_mem>> -> memref<!tpu.dma_semaphore, #tpu.memory_space<semaphore_mem>>
    %dma_start3A_420 = arith.constant 0 : i32
    %dma_start3A_421 = arith.constant 0 : i32
    %dma_start3A_422 = tpu.memref_slice %arg4[%add3A_409, %dma_start3A_420, %dma_start3A_421] : memref<16384x1x768xf32, #tpu.memory_space<hbm>> -> memref<32x1x768xf32, #tpu.memory_space<hbm>>
    %dma_start3A_423 = arith.constant 64 : i32
    %dma_start3A_424 = arith.constant 0 : i32
    %dma_start3A_425 = arith.constant 0 : i32
    %dma_start3A_426 = tpu.memref_slice %arg6[%dma_start3A_423, %dma_start3A_424, %dma_start3A_425] : memref<128x1x768xf32, #tpu.memory_space<vmem>> -> memref<32x1x768xf32, #tpu.memory_space<vmem>>
    tpu.enqueue_dma source(%dma_start3A_426 : memref<32x1x768xf32, #tpu.memory_space<vmem>>) target(%dma_start3A_422 : memref<32x1x768xf32, #tpu.memory_space<hbm>>) target_semaphore(%dma_start3A_419 : memref<!tpu.dma_semaphore, #tpu.memory_space<semaphore_mem>>)
    %dma_wait3A_427 = arith.constant 1 : i32
    %dma_wait3A_428 = arith.constant 32 : i32
    %dma_wait3A_429 = arith.constant 0 : i32
    %dma_wait3A_430 = arith.constant 0 : i32
    %dma_wait3A_431 = tpu.memref_slice %arg6[%dma_wait3A_428, %dma_wait3A_429, %dma_wait3A_430] : memref<128x1x768xf32, #tpu.memory_space<vmem>> -> memref<32x1x768xf32, #tpu.memory_space<vmem>>
    %dma_wait3A_432 = arith.constant 0 : i32
    %dma_wait3A_433 = arith.constant 0 : i32
    %dma_wait3A_434 = tpu.memref_slice %arg4[%add3A_347, %dma_wait3A_432, %dma_wait3A_433] : memref<16384x1x768xf32, #tpu.memory_space<hbm>> -> memref<32x1x768xf32, #tpu.memory_space<hbm>>
    %dma_wait3A_435 = tpu.memref_slice %arg8[%dma_wait3A_427] : memref<4x!tpu.dma_semaphore, #tpu.memory_space<semaphore_mem>> -> memref<1x!tpu.dma_semaphore, #tpu.memory_space<semaphore_mem>>
    %dma_wait3A_436 = tpu.memref_squeeze %dma_wait3A_435 : memref<1x!tpu.dma_semaphore, #tpu.memory_space<semaphore_mem>> -> memref<!tpu.dma_semaphore, #tpu.memory_space<semaphore_mem>>
    %dma_wait3A_437 = arith.constant 0 : i32
    %dma_wait3A_438 = arith.constant 0 : i32
    %dma_wait3A_439 = tpu.memref_slice %arg4[%add3A_347, %dma_wait3A_437, %dma_wait3A_438] : memref<16384x1x768xf32, #tpu.memory_space<hbm>> -> memref<32x1x768xf32, #tpu.memory_space<hbm>>
    %dma_wait3A_440 = arith.constant 32 : i32
    %dma_wait3A_441 = arith.constant 0 : i32
    %dma_wait3A_442 = arith.constant 0 : i32
    %dma_wait3A_443 = tpu.memref_slice %arg6[%dma_wait3A_440, %dma_wait3A_441, %dma_wait3A_442] : memref<128x1x768xf32, #tpu.memory_space<vmem>> -> memref<32x1x768xf32, #tpu.memory_space<vmem>>
    tpu.wait_dma2 semaphore(%dma_wait3A_436 : memref<!tpu.dma_semaphore, #tpu.memory_space<semaphore_mem>>) src(%dma_wait3A_443 : memref<32x1x768xf32, #tpu.memory_space<vmem>>) dst(%dma_wait3A_439 : memref<32x1x768xf32, #tpu.memory_space<hbm>>)
    %dma_start3A_444 = arith.constant 1 : i32
    %dma_start3A_445 = arith.constant 32 : i32
    %dma_start3A_446 = arith.constant 0 : i32
    %dma_start3A_447 = arith.constant 0 : i32
    %dma_start3A_448 = tpu.memref_slice %arg6[%dma_start3A_445, %dma_start3A_446, %dma_start3A_447] : memref<128x1x768xf32, #tpu.memory_space<vmem>> -> memref<32x1x768xf32, #tpu.memory_space<vmem>>
    %dma_start3A_449 = arith.constant 288 : i32
    %dma_start3A_450 = tpu.memref_slice %arg5[%dma_start3A_449] : memref<512xi32, #tpu.memory_space<vmem>> -> memref<32xi32, #tpu.memory_space<vmem>>
    %dma_start3A_451 = arith.constant 0 : i32
    %dma_start3A_452 = arith.constant 0 : i32
    %dma_start3A_453 = arith.constant 0 : i32
    %dma_start3A_454 = tpu.memref_slice %arg3[%dma_start3A_451, %dma_start3A_452, %dma_start3A_453] : memref<100000x1x768xf32, #tpu.memory_space<hbm>> -> memref<100000x1x768xf32, #tpu.memory_space<hbm>>
    %dma_start3A_455 = tpu.memref_slice %arg7[%dma_start3A_444] : memref<4x!tpu.dma_semaphore, #tpu.memory_space<semaphore_mem>> -> memref<1x!tpu.dma_semaphore, #tpu.memory_space<semaphore_mem>>
    %dma_start3A_456 = tpu.memref_squeeze %dma_start3A_455 : memref<1x!tpu.dma_semaphore, #tpu.memory_space<semaphore_mem>> -> memref<!tpu.dma_semaphore, #tpu.memory_space<semaphore_mem>>
    tpu.enqueue_indirect_dma source(%dma_start3A_454 : memref<100000x1x768xf32, #tpu.memory_space<hbm>>) target(%dma_start3A_448 : memref<32x1x768xf32, #tpu.memory_space<vmem>>) offsets(%dma_start3A_450 : memref<32xi32, #tpu.memory_space<vmem>>) semaphore(%dma_start3A_456 : memref<!tpu.dma_semaphore, #tpu.memory_space<semaphore_mem>>)
    %dma_wait3A_457 = arith.constant 3 : i32
    %dma_wait3A_458 = arith.constant 96 : i32
    %dma_wait3A_459 = arith.constant 0 : i32
    %dma_wait3A_460 = arith.constant 0 : i32
    %dma_wait3A_461 = tpu.memref_slice %arg6[%dma_wait3A_458, %dma_wait3A_459, %dma_wait3A_460] : memref<128x1x768xf32, #tpu.memory_space<vmem>> -> memref<32x1x768xf32, #tpu.memory_space<vmem>>
    %dma_wait3A_462 = arith.constant 224 : i32
    %dma_wait3A_463 = tpu.memref_slice %arg5[%dma_wait3A_462] : memref<512xi32, #tpu.memory_space<vmem>> -> memref<32xi32, #tpu.memory_space<vmem>>
    %dma_wait3A_464 = arith.constant 0 : i32
    %dma_wait3A_465 = arith.constant 0 : i32
    %dma_wait3A_466 = arith.constant 0 : i32
    %dma_wait3A_467 = tpu.memref_slice %arg3[%dma_wait3A_464, %dma_wait3A_465, %dma_wait3A_466] : memref<100000x1x768xf32, #tpu.memory_space<hbm>> -> memref<100000x1x768xf32, #tpu.memory_space<hbm>>
    %dma_wait3A_468 = tpu.memref_slice %arg7[%dma_wait3A_457] : memref<4x!tpu.dma_semaphore, #tpu.memory_space<semaphore_mem>> -> memref<1x!tpu.dma_semaphore, #tpu.memory_space<semaphore_mem>>
    %dma_wait3A_469 = tpu.memref_squeeze %dma_wait3A_468 : memref<1x!tpu.dma_semaphore, #tpu.memory_space<semaphore_mem>> -> memref<!tpu.dma_semaphore, #tpu.memory_space<semaphore_mem>>
    tpu.wait_indirect_dma semaphore(%dma_wait3A_469 : memref<!tpu.dma_semaphore, #tpu.memory_space<semaphore_mem>>) src(%dma_wait3A_467 : memref<100000x1x768xf32, #tpu.memory_space<hbm>>) dst(%dma_wait3A_461 : memref<32x1x768xf32, #tpu.memory_space<vmem>>)
    %add3A_470 = arith.constant 224 : i32
    %add3A_471 = arith.addi %mul3A_2, %add3A_470 : i32
    %dma_start3A_472 = arith.constant 3 : i32
    %dma_start3A_473 = arith.constant 96 : i32
    %dma_start3A_474 = arith.constant 0 : i32
    %dma_start3A_475 = arith.constant 0 : i32
    %dma_start3A_476 = tpu.memref_slice %arg6[%dma_start3A_473, %dma_start3A_474, %dma_start3A_475] : memref<128x1x768xf32, #tpu.memory_space<vmem>> -> memref<32x1x768xf32, #tpu.memory_space<vmem>>
    %dma_start3A_477 = arith.constant 0 : i32
    %dma_start3A_478 = arith.constant 0 : i32
    %dma_start3A_479 = tpu.memref_slice %arg4[%add3A_471, %dma_start3A_477, %dma_start3A_478] : memref<16384x1x768xf32, #tpu.memory_space<hbm>> -> memref<32x1x768xf32, #tpu.memory_space<hbm>>
    %dma_start3A_480 = tpu.memref_slice %arg8[%dma_start3A_472] : memref<4x!tpu.dma_semaphore, #tpu.memory_space<semaphore_mem>> -> memref<1x!tpu.dma_semaphore, #tpu.memory_space<semaphore_mem>>
    %dma_start3A_481 = tpu.memref_squeeze %dma_start3A_480 : memref<1x!tpu.dma_semaphore, #tpu.memory_space<semaphore_mem>> -> memref<!tpu.dma_semaphore, #tpu.memory_space<semaphore_mem>>
    %dma_start3A_482 = arith.constant 0 : i32
    %dma_start3A_483 = arith.constant 0 : i32
    %dma_start3A_484 = tpu.memref_slice %arg4[%add3A_471, %dma_start3A_482, %dma_start3A_483] : memref<16384x1x768xf32, #tpu.memory_space<hbm>> -> memref<32x1x768xf32, #tpu.memory_space<hbm>>
    %dma_start3A_485 = arith.constant 96 : i32
    %dma_start3A_486 = arith.constant 0 : i32
    %dma_start3A_487 = arith.constant 0 : i32
    %dma_start3A_488 = tpu.memref_slice %arg6[%dma_start3A_485, %dma_start3A_486, %dma_start3A_487] : memref<128x1x768xf32, #tpu.memory_space<vmem>> -> memref<32x1x768xf32, #tpu.memory_space<vmem>>
    tpu.enqueue_dma source(%dma_start3A_488 : memref<32x1x768xf32, #tpu.memory_space<vmem>>) target(%dma_start3A_484 : memref<32x1x768xf32, #tpu.memory_space<hbm>>) target_semaphore(%dma_start3A_481 : memref<!tpu.dma_semaphore, #tpu.memory_space<semaphore_mem>>)
    %dma_wait3A_489 = arith.constant 2 : i32
    %dma_wait3A_490 = arith.constant 64 : i32
    %dma_wait3A_491 = arith.constant 0 : i32
    %dma_wait3A_492 = arith.constant 0 : i32
    %dma_wait3A_493 = tpu.memref_slice %arg6[%dma_wait3A_490, %dma_wait3A_491, %dma_wait3A_492] : memref<128x1x768xf32, #tpu.memory_space<vmem>> -> memref<32x1x768xf32, #tpu.memory_space<vmem>>
    %dma_wait3A_494 = arith.constant 0 : i32
    %dma_wait3A_495 = arith.constant 0 : i32
    %dma_wait3A_496 = tpu.memref_slice %arg4[%add3A_409, %dma_wait3A_494, %dma_wait3A_495] : memref<16384x1x768xf32, #tpu.memory_space<hbm>> -> memref<32x1x768xf32, #tpu.memory_space<hbm>>
    %dma_wait3A_497 = tpu.memref_slice %arg8[%dma_wait3A_489] : memref<4x!tpu.dma_semaphore, #tpu.memory_space<semaphore_mem>> -> memref<1x!tpu.dma_semaphore, #tpu.memory_space<semaphore_mem>>
    %dma_wait3A_498 = tpu.memref_squeeze %dma_wait3A_497 : memref<1x!tpu.dma_semaphore, #tpu.memory_space<semaphore_mem>> -> memref<!tpu.dma_semaphore, #tpu.memory_space<semaphore_mem>>
    %dma_wait3A_499 = arith.constant 0 : i32
    %dma_wait3A_500 = arith.constant 0 : i32
    %dma_wait3A_501 = tpu.memref_slice %arg4[%add3A_409, %dma_wait3A_499, %dma_wait3A_500] : memref<16384x1x768xf32, #tpu.memory_space<hbm>> -> memref<32x1x768xf32, #tpu.memory_space<hbm>>
    %dma_wait3A_502 = arith.constant 64 : i32
    %dma_wait3A_503 = arith.constant 0 : i32
    %dma_wait3A_504 = arith.constant 0 : i32
    %dma_wait3A_505 = tpu.memref_slice %arg6[%dma_wait3A_502, %dma_wait3A_503, %dma_wait3A_504] : memref<128x1x768xf32, #tpu.memory_space<vmem>> -> memref<32x1x768xf32, #tpu.memory_space<vmem>>
    tpu.wait_dma2 semaphore(%dma_wait3A_498 : memref<!tpu.dma_semaphore, #tpu.memory_space<semaphore_mem>>) src(%dma_wait3A_505 : memref<32x1x768xf32, #tpu.memory_space<vmem>>) dst(%dma_wait3A_501 : memref<32x1x768xf32, #tpu.memory_space<hbm>>)
    %dma_start3A_506 = arith.constant 2 : i32
    %dma_start3A_507 = arith.constant 64 : i32
    %dma_start3A_508 = arith.constant 0 : i32
    %dma_start3A_509 = arith.constant 0 : i32
    %dma_start3A_510 = tpu.memref_slice %arg6[%dma_start3A_507, %dma_start3A_508, %dma_start3A_509] : memref<128x1x768xf32, #tpu.memory_space<vmem>> -> memref<32x1x768xf32, #tpu.memory_space<vmem>>
    %dma_start3A_511 = arith.constant 320 : i32
    %dma_start3A_512 = tpu.memref_slice %arg5[%dma_start3A_511] : memref<512xi32, #tpu.memory_space<vmem>> -> memref<32xi32, #tpu.memory_space<vmem>>
    %dma_start3A_513 = arith.constant 0 : i32
    %dma_start3A_514 = arith.constant 0 : i32
    %dma_start3A_515 = arith.constant 0 : i32
    %dma_start3A_516 = tpu.memref_slice %arg3[%dma_start3A_513, %dma_start3A_514, %dma_start3A_515] : memref<100000x1x768xf32, #tpu.memory_space<hbm>> -> memref<100000x1x768xf32, #tpu.memory_space<hbm>>
    %dma_start3A_517 = tpu.memref_slice %arg7[%dma_start3A_506] : memref<4x!tpu.dma_semaphore, #tpu.memory_space<semaphore_mem>> -> memref<1x!tpu.dma_semaphore, #tpu.memory_space<semaphore_mem>>
    %dma_start3A_518 = tpu.memref_squeeze %dma_start3A_517 : memref<1x!tpu.dma_semaphore, #tpu.memory_space<semaphore_mem>> -> memref<!tpu.dma_semaphore, #tpu.memory_space<semaphore_mem>>
    tpu.enqueue_indirect_dma source(%dma_start3A_516 : memref<100000x1x768xf32, #tpu.memory_space<hbm>>) target(%dma_start3A_510 : memref<32x1x768xf32, #tpu.memory_space<vmem>>) offsets(%dma_start3A_512 : memref<32xi32, #tpu.memory_space<vmem>>) semaphore(%dma_start3A_518 : memref<!tpu.dma_semaphore, #tpu.memory_space<semaphore_mem>>)
    %dma_wait3A_519 = arith.constant 0 : i32
    %dma_wait3A_520 = arith.constant 0 : i32
    %dma_wait3A_521 = arith.constant 0 : i32
    %dma_wait3A_522 = arith.constant 0 : i32
    %dma_wait3A_523 = tpu.memref_slice %arg6[%dma_wait3A_520, %dma_wait3A_521, %dma_wait3A_522] : memref<128x1x768xf32, #tpu.memory_space<vmem>> -> memref<32x1x768xf32, #tpu.memory_space<vmem>>
    %dma_wait3A_524 = arith.constant 256 : i32
    %dma_wait3A_525 = tpu.memref_slice %arg5[%dma_wait3A_524] : memref<512xi32, #tpu.memory_space<vmem>> -> memref<32xi32, #tpu.memory_space<vmem>>
    %dma_wait3A_526 = arith.constant 0 : i32
    %dma_wait3A_527 = arith.constant 0 : i32
    %dma_wait3A_528 = arith.constant 0 : i32
    %dma_wait3A_529 = tpu.memref_slice %arg3[%dma_wait3A_526, %dma_wait3A_527, %dma_wait3A_528] : memref<100000x1x768xf32, #tpu.memory_space<hbm>> -> memref<100000x1x768xf32, #tpu.memory_space<hbm>>
    %dma_wait3A_530 = tpu.memref_slice %arg7[%dma_wait3A_519] : memref<4x!tpu.dma_semaphore, #tpu.memory_space<semaphore_mem>> -> memref<1x!tpu.dma_semaphore, #tpu.memory_space<semaphore_mem>>
    %dma_wait3A_531 = tpu.memref_squeeze %dma_wait3A_530 : memref<1x!tpu.dma_semaphore, #tpu.memory_space<semaphore_mem>> -> memref<!tpu.dma_semaphore, #tpu.memory_space<semaphore_mem>>
    tpu.wait_indirect_dma semaphore(%dma_wait3A_531 : memref<!tpu.dma_semaphore, #tpu.memory_space<semaphore_mem>>) src(%dma_wait3A_529 : memref<100000x1x768xf32, #tpu.memory_space<hbm>>) dst(%dma_wait3A_523 : memref<32x1x768xf32, #tpu.memory_space<vmem>>)
    %add3A_532 = arith.constant 256 : i32
    %add3A_533 = arith.addi %mul3A_2, %add3A_532 : i32
    %dma_start3A_534 = arith.constant 0 : i32
    %dma_start3A_535 = arith.constant 0 : i32
    %dma_start3A_536 = arith.constant 0 : i32
    %dma_start3A_537 = arith.constant 0 : i32
    %dma_start3A_538 = tpu.memref_slice %arg6[%dma_start3A_535, %dma_start3A_536, %dma_start3A_537] : memref<128x1x768xf32, #tpu.memory_space<vmem>> -> memref<32x1x768xf32, #tpu.memory_space<vmem>>
    %dma_start3A_539 = arith.constant 0 : i32
    %dma_start3A_540 = arith.constant 0 : i32
    %dma_start3A_541 = tpu.memref_slice %arg4[%add3A_533, %dma_start3A_539, %dma_start3A_540] : memref<16384x1x768xf32, #tpu.memory_space<hbm>> -> memref<32x1x768xf32, #tpu.memory_space<hbm>>
    %dma_start3A_542 = tpu.memref_slice %arg8[%dma_start3A_534] : memref<4x!tpu.dma_semaphore, #tpu.memory_space<semaphore_mem>> -> memref<1x!tpu.dma_semaphore, #tpu.memory_space<semaphore_mem>>
    %dma_start3A_543 = tpu.memref_squeeze %dma_start3A_542 : memref<1x!tpu.dma_semaphore, #tpu.memory_space<semaphore_mem>> -> memref<!tpu.dma_semaphore, #tpu.memory_space<semaphore_mem>>
    %dma_start3A_544 = arith.constant 0 : i32
    %dma_start3A_545 = arith.constant 0 : i32
    %dma_start3A_546 = tpu.memref_slice %arg4[%add3A_533, %dma_start3A_544, %dma_start3A_545] : memref<16384x1x768xf32, #tpu.memory_space<hbm>> -> memref<32x1x768xf32, #tpu.memory_space<hbm>>
    %dma_start3A_547 = arith.constant 0 : i32
    %dma_start3A_548 = arith.constant 0 : i32
    %dma_start3A_549 = arith.constant 0 : i32
    %dma_start3A_550 = tpu.memref_slice %arg6[%dma_start3A_547, %dma_start3A_548, %dma_start3A_549] : memref<128x1x768xf32, #tpu.memory_space<vmem>> -> memref<32x1x768xf32, #tpu.memory_space<vmem>>
    tpu.enqueue_dma source(%dma_start3A_550 : memref<32x1x768xf32, #tpu.memory_space<vmem>>) target(%dma_start3A_546 : memref<32x1x768xf32, #tpu.memory_space<hbm>>) target_semaphore(%dma_start3A_543 : memref<!tpu.dma_semaphore, #tpu.memory_space<semaphore_mem>>)
    %dma_wait3A_551 = arith.constant 3 : i32
    %dma_wait3A_552 = arith.constant 96 : i32
    %dma_wait3A_553 = arith.constant 0 : i32
    %dma_wait3A_554 = arith.constant 0 : i32
    %dma_wait3A_555 = tpu.memref_slice %arg6[%dma_wait3A_552, %dma_wait3A_553, %dma_wait3A_554] : memref<128x1x768xf32, #tpu.memory_space<vmem>> -> memref<32x1x768xf32, #tpu.memory_space<vmem>>
    %dma_wait3A_556 = arith.constant 0 : i32
    %dma_wait3A_557 = arith.constant 0 : i32
    %dma_wait3A_558 = tpu.memref_slice %arg4[%add3A_471, %dma_wait3A_556, %dma_wait3A_557] : memref<16384x1x768xf32, #tpu.memory_space<hbm>> -> memref<32x1x768xf32, #tpu.memory_space<hbm>>
    %dma_wait3A_559 = tpu.memref_slice %arg8[%dma_wait3A_551] : memref<4x!tpu.dma_semaphore, #tpu.memory_space<semaphore_mem>> -> memref<1x!tpu.dma_semaphore, #tpu.memory_space<semaphore_mem>>
    %dma_wait3A_560 = tpu.memref_squeeze %dma_wait3A_559 : memref<1x!tpu.dma_semaphore, #tpu.memory_space<semaphore_mem>> -> memref<!tpu.dma_semaphore, #tpu.memory_space<semaphore_mem>>
    %dma_wait3A_561 = arith.constant 0 : i32
    %dma_wait3A_562 = arith.constant 0 : i32
    %dma_wait3A_563 = tpu.memref_slice %arg4[%add3A_471, %dma_wait3A_561, %dma_wait3A_562] : memref<16384x1x768xf32, #tpu.memory_space<hbm>> -> memref<32x1x768xf32, #tpu.memory_space<hbm>>
    %dma_wait3A_564 = arith.constant 96 : i32
    %dma_wait3A_565 = arith.constant 0 : i32
    %dma_wait3A_566 = arith.constant 0 : i32
    %dma_wait3A_567 = tpu.memref_slice %arg6[%dma_wait3A_564, %dma_wait3A_565, %dma_wait3A_566] : memref<128x1x768xf32, #tpu.memory_space<vmem>> -> memref<32x1x768xf32, #tpu.memory_space<vmem>>
    tpu.wait_dma2 semaphore(%dma_wait3A_560 : memref<!tpu.dma_semaphore, #tpu.memory_space<semaphore_mem>>) src(%dma_wait3A_567 : memref<32x1x768xf32, #tpu.memory_space<vmem>>) dst(%dma_wait3A_563 : memref<32x1x768xf32, #tpu.memory_space<hbm>>)
    %dma_start3A_568 = arith.constant 3 : i32
    %dma_start3A_569 = arith.constant 96 : i32
    %dma_start3A_570 = arith.constant 0 : i32
    %dma_start3A_571 = arith.constant 0 : i32
    %dma_start3A_572 = tpu.memref_slice %arg6[%dma_start3A_569, %dma_start3A_570, %dma_start3A_571] : memref<128x1x768xf32, #tpu.memory_space<vmem>> -> memref<32x1x768xf32, #tpu.memory_space<vmem>>
    %dma_start3A_573 = arith.constant 352 : i32
    %dma_start3A_574 = tpu.memref_slice %arg5[%dma_start3A_573] : memref<512xi32, #tpu.memory_space<vmem>> -> memref<32xi32, #tpu.memory_space<vmem>>
    %dma_start3A_575 = arith.constant 0 : i32
    %dma_start3A_576 = arith.constant 0 : i32
    %dma_start3A_577 = arith.constant 0 : i32
    %dma_start3A_578 = tpu.memref_slice %arg3[%dma_start3A_575, %dma_start3A_576, %dma_start3A_577] : memref<100000x1x768xf32, #tpu.memory_space<hbm>> -> memref<100000x1x768xf32, #tpu.memory_space<hbm>>
    %dma_start3A_579 = tpu.memref_slice %arg7[%dma_start3A_568] : memref<4x!tpu.dma_semaphore, #tpu.memory_space<semaphore_mem>> -> memref<1x!tpu.dma_semaphore, #tpu.memory_space<semaphore_mem>>
    %dma_start3A_580 = tpu.memref_squeeze %dma_start3A_579 : memref<1x!tpu.dma_semaphore, #tpu.memory_space<semaphore_mem>> -> memref<!tpu.dma_semaphore, #tpu.memory_space<semaphore_mem>>
    tpu.enqueue_indirect_dma source(%dma_start3A_578 : memref<100000x1x768xf32, #tpu.memory_space<hbm>>) target(%dma_start3A_572 : memref<32x1x768xf32, #tpu.memory_space<vmem>>) offsets(%dma_start3A_574 : memref<32xi32, #tpu.memory_space<vmem>>) semaphore(%dma_start3A_580 : memref<!tpu.dma_semaphore, #tpu.memory_space<semaphore_mem>>)
    %dma_wait3A_581 = arith.constant 1 : i32
    %dma_wait3A_582 = arith.constant 32 : i32
    %dma_wait3A_583 = arith.constant 0 : i32
    %dma_wait3A_584 = arith.constant 0 : i32
    %dma_wait3A_585 = tpu.memref_slice %arg6[%dma_wait3A_582, %dma_wait3A_583, %dma_wait3A_584] : memref<128x1x768xf32, #tpu.memory_space<vmem>> -> memref<32x1x768xf32, #tpu.memory_space<vmem>>
    %dma_wait3A_586 = arith.constant 288 : i32
    %dma_wait3A_587 = tpu.memref_slice %arg5[%dma_wait3A_586] : memref<512xi32, #tpu.memory_space<vmem>> -> memref<32xi32, #tpu.memory_space<vmem>>
    %dma_wait3A_588 = arith.constant 0 : i32
    %dma_wait3A_589 = arith.constant 0 : i32
    %dma_wait3A_590 = arith.constant 0 : i32
    %dma_wait3A_591 = tpu.memref_slice %arg3[%dma_wait3A_588, %dma_wait3A_589, %dma_wait3A_590] : memref<100000x1x768xf32, #tpu.memory_space<hbm>> -> memref<100000x1x768xf32, #tpu.memory_space<hbm>>
    %dma_wait3A_592 = tpu.memref_slice %arg7[%dma_wait3A_581] : memref<4x!tpu.dma_semaphore, #tpu.memory_space<semaphore_mem>> -> memref<1x!tpu.dma_semaphore, #tpu.memory_space<semaphore_mem>>
    %dma_wait3A_593 = tpu.memref_squeeze %dma_wait3A_592 : memref<1x!tpu.dma_semaphore, #tpu.memory_space<semaphore_mem>> -> memref<!tpu.dma_semaphore, #tpu.memory_space<semaphore_mem>>
    tpu.wait_indirect_dma semaphore(%dma_wait3A_593 : memref<!tpu.dma_semaphore, #tpu.memory_space<semaphore_mem>>) src(%dma_wait3A_591 : memref<100000x1x768xf32, #tpu.memory_space<hbm>>) dst(%dma_wait3A_585 : memref<32x1x768xf32, #tpu.memory_space<vmem>>)
    %add3A_594 = arith.constant 288 : i32
    %add3A_595 = arith.addi %mul3A_2, %add3A_594 : i32
    %dma_start3A_596 = arith.constant 1 : i32
    %dma_start3A_597 = arith.constant 32 : i32
    %dma_start3A_598 = arith.constant 0 : i32
    %dma_start3A_599 = arith.constant 0 : i32
    %dma_start3A_600 = tpu.memref_slice %arg6[%dma_start3A_597, %dma_start3A_598, %dma_start3A_599] : memref<128x1x768xf32, #tpu.memory_space<vmem>> -> memref<32x1x768xf32, #tpu.memory_space<vmem>>
    %dma_start3A_601 = arith.constant 0 : i32
    %dma_start3A_602 = arith.constant 0 : i32
    %dma_start3A_603 = tpu.memref_slice %arg4[%add3A_595, %dma_start3A_601, %dma_start3A_602] : memref<16384x1x768xf32, #tpu.memory_space<hbm>> -> memref<32x1x768xf32, #tpu.memory_space<hbm>>
    %dma_start3A_604 = tpu.memref_slice %arg8[%dma_start3A_596] : memref<4x!tpu.dma_semaphore, #tpu.memory_space<semaphore_mem>> -> memref<1x!tpu.dma_semaphore, #tpu.memory_space<semaphore_mem>>
    %dma_start3A_605 = tpu.memref_squeeze %dma_start3A_604 : memref<1x!tpu.dma_semaphore, #tpu.memory_space<semaphore_mem>> -> memref<!tpu.dma_semaphore, #tpu.memory_space<semaphore_mem>>
    %dma_start3A_606 = arith.constant 0 : i32
    %dma_start3A_607 = arith.constant 0 : i32
    %dma_start3A_608 = tpu.memref_slice %arg4[%add3A_595, %dma_start3A_606, %dma_start3A_607] : memref<16384x1x768xf32, #tpu.memory_space<hbm>> -> memref<32x1x768xf32, #tpu.memory_space<hbm>>
    %dma_start3A_609 = arith.constant 32 : i32
    %dma_start3A_610 = arith.constant 0 : i32
    %dma_start3A_611 = arith.constant 0 : i32
    %dma_start3A_612 = tpu.memref_slice %arg6[%dma_start3A_609, %dma_start3A_610, %dma_start3A_611] : memref<128x1x768xf32, #tpu.memory_space<vmem>> -> memref<32x1x768xf32, #tpu.memory_space<vmem>>
    tpu.enqueue_dma source(%dma_start3A_612 : memref<32x1x768xf32, #tpu.memory_space<vmem>>) target(%dma_start3A_608 : memref<32x1x768xf32, #tpu.memory_space<hbm>>) target_semaphore(%dma_start3A_605 : memref<!tpu.dma_semaphore, #tpu.memory_space<semaphore_mem>>)
    %dma_wait3A_613 = arith.constant 0 : i32
    %dma_wait3A_614 = arith.constant 0 : i32
    %dma_wait3A_615 = arith.constant 0 : i32
    %dma_wait3A_616 = arith.constant 0 : i32
    %dma_wait3A_617 = tpu.memref_slice %arg6[%dma_wait3A_614, %dma_wait3A_615, %dma_wait3A_616] : memref<128x1x768xf32, #tpu.memory_space<vmem>> -> memref<32x1x768xf32, #tpu.memory_space<vmem>>
    %dma_wait3A_618 = arith.constant 0 : i32
    %dma_wait3A_619 = arith.constant 0 : i32
    %dma_wait3A_620 = tpu.memref_slice %arg4[%add3A_533, %dma_wait3A_618, %dma_wait3A_619] : memref<16384x1x768xf32, #tpu.memory_space<hbm>> -> memref<32x1x768xf32, #tpu.memory_space<hbm>>
    %dma_wait3A_621 = tpu.memref_slice %arg8[%dma_wait3A_613] : memref<4x!tpu.dma_semaphore, #tpu.memory_space<semaphore_mem>> -> memref<1x!tpu.dma_semaphore, #tpu.memory_space<semaphore_mem>>
    %dma_wait3A_622 = tpu.memref_squeeze %dma_wait3A_621 : memref<1x!tpu.dma_semaphore, #tpu.memory_space<semaphore_mem>> -> memref<!tpu.dma_semaphore, #tpu.memory_space<semaphore_mem>>
    %dma_wait3A_623 = arith.constant 0 : i32
    %dma_wait3A_624 = arith.constant 0 : i32
    %dma_wait3A_625 = tpu.memref_slice %arg4[%add3A_533, %dma_wait3A_623, %dma_wait3A_624] : memref<16384x1x768xf32, #tpu.memory_space<hbm>> -> memref<32x1x768xf32, #tpu.memory_space<hbm>>
    %dma_wait3A_626 = arith.constant 0 : i32
    %dma_wait3A_627 = arith.constant 0 : i32
    %dma_wait3A_628 = arith.constant 0 : i32
    %dma_wait3A_629 = tpu.memref_slice %arg6[%dma_wait3A_626, %dma_wait3A_627, %dma_wait3A_628] : memref<128x1x768xf32, #tpu.memory_space<vmem>> -> memref<32x1x768xf32, #tpu.memory_space<vmem>>
    tpu.wait_dma2 semaphore(%dma_wait3A_622 : memref<!tpu.dma_semaphore, #tpu.memory_space<semaphore_mem>>) src(%dma_wait3A_629 : memref<32x1x768xf32, #tpu.memory_space<vmem>>) dst(%dma_wait3A_625 : memref<32x1x768xf32, #tpu.memory_space<hbm>>)
    %dma_start3A_630 = arith.constant 0 : i32
    %dma_start3A_631 = arith.constant 0 : i32
    %dma_start3A_632 = arith.constant 0 : i32
    %dma_start3A_633 = arith.constant 0 : i32
    %dma_start3A_634 = tpu.memref_slice %arg6[%dma_start3A_631, %dma_start3A_632, %dma_start3A_633] : memref<128x1x768xf32, #tpu.memory_space<vmem>> -> memref<32x1x768xf32, #tpu.memory_space<vmem>>
    %dma_start3A_635 = arith.constant 384 : i32
    %dma_start3A_636 = tpu.memref_slice %arg5[%dma_start3A_635] : memref<512xi32, #tpu.memory_space<vmem>> -> memref<32xi32, #tpu.memory_space<vmem>>
    %dma_start3A_637 = arith.constant 0 : i32
    %dma_start3A_638 = arith.constant 0 : i32
    %dma_start3A_639 = arith.constant 0 : i32
    %dma_start3A_640 = tpu.memref_slice %arg3[%dma_start3A_637, %dma_start3A_638, %dma_start3A_639] : memref<100000x1x768xf32, #tpu.memory_space<hbm>> -> memref<100000x1x768xf32, #tpu.memory_space<hbm>>
    %dma_start3A_641 = tpu.memref_slice %arg7[%dma_start3A_630] : memref<4x!tpu.dma_semaphore, #tpu.memory_space<semaphore_mem>> -> memref<1x!tpu.dma_semaphore, #tpu.memory_space<semaphore_mem>>
    %dma_start3A_642 = tpu.memref_squeeze %dma_start3A_641 : memref<1x!tpu.dma_semaphore, #tpu.memory_space<semaphore_mem>> -> memref<!tpu.dma_semaphore, #tpu.memory_space<semaphore_mem>>
    tpu.enqueue_indirect_dma source(%dma_start3A_640 : memref<100000x1x768xf32, #tpu.memory_space<hbm>>) target(%dma_start3A_634 : memref<32x1x768xf32, #tpu.memory_space<vmem>>) offsets(%dma_start3A_636 : memref<32xi32, #tpu.memory_space<vmem>>) semaphore(%dma_start3A_642 : memref<!tpu.dma_semaphore, #tpu.memory_space<semaphore_mem>>)
    %dma_wait3A_643 = arith.constant 2 : i32
    %dma_wait3A_644 = arith.constant 64 : i32
    %dma_wait3A_645 = arith.constant 0 : i32
    %dma_wait3A_646 = arith.constant 0 : i32
    %dma_wait3A_647 = tpu.memref_slice %arg6[%dma_wait3A_644, %dma_wait3A_645, %dma_wait3A_646] : memref<128x1x768xf32, #tpu.memory_space<vmem>> -> memref<32x1x768xf32, #tpu.memory_space<vmem>>
    %dma_wait3A_648 = arith.constant 320 : i32
    %dma_wait3A_649 = tpu.memref_slice %arg5[%dma_wait3A_648] : memref<512xi32, #tpu.memory_space<vmem>> -> memref<32xi32, #tpu.memory_space<vmem>>
    %dma_wait3A_650 = arith.constant 0 : i32
    %dma_wait3A_651 = arith.constant 0 : i32
    %dma_wait3A_652 = arith.constant 0 : i32
    %dma_wait3A_653 = tpu.memref_slice %arg3[%dma_wait3A_650, %dma_wait3A_651, %dma_wait3A_652] : memref<100000x1x768xf32, #tpu.memory_space<hbm>> -> memref<100000x1x768xf32, #tpu.memory_space<hbm>>
    %dma_wait3A_654 = tpu.memref_slice %arg7[%dma_wait3A_643] : memref<4x!tpu.dma_semaphore, #tpu.memory_space<semaphore_mem>> -> memref<1x!tpu.dma_semaphore, #tpu.memory_space<semaphore_mem>>
    %dma_wait3A_655 = tpu.memref_squeeze %dma_wait3A_654 : memref<1x!tpu.dma_semaphore, #tpu.memory_space<semaphore_mem>> -> memref<!tpu.dma_semaphore, #tpu.memory_space<semaphore_mem>>
    tpu.wait_indirect_dma semaphore(%dma_wait3A_655 : memref<!tpu.dma_semaphore, #tpu.memory_space<semaphore_mem>>) src(%dma_wait3A_653 : memref<100000x1x768xf32, #tpu.memory_space<hbm>>) dst(%dma_wait3A_647 : memref<32x1x768xf32, #tpu.memory_space<vmem>>)
    %add3A_656 = arith.constant 320 : i32
    %add3A_657 = arith.addi %mul3A_2, %add3A_656 : i32
    %dma_start3A_658 = arith.constant 2 : i32
    %dma_start3A_659 = arith.constant 64 : i32
    %dma_start3A_660 = arith.constant 0 : i32
    %dma_start3A_661 = arith.constant 0 : i32
    %dma_start3A_662 = tpu.memref_slice %arg6[%dma_start3A_659, %dma_start3A_660, %dma_start3A_661] : memref<128x1x768xf32, #tpu.memory_space<vmem>> -> memref<32x1x768xf32, #tpu.memory_space<vmem>>
    %dma_start3A_663 = arith.constant 0 : i32
    %dma_start3A_664 = arith.constant 0 : i32
    %dma_start3A_665 = tpu.memref_slice %arg4[%add3A_657, %dma_start3A_663, %dma_start3A_664] : memref<16384x1x768xf32, #tpu.memory_space<hbm>> -> memref<32x1x768xf32, #tpu.memory_space<hbm>>
    %dma_start3A_666 = tpu.memref_slice %arg8[%dma_start3A_658] : memref<4x!tpu.dma_semaphore, #tpu.memory_space<semaphore_mem>> -> memref<1x!tpu.dma_semaphore, #tpu.memory_space<semaphore_mem>>
    %dma_start3A_667 = tpu.memref_squeeze %dma_start3A_666 : memref<1x!tpu.dma_semaphore, #tpu.memory_space<semaphore_mem>> -> memref<!tpu.dma_semaphore, #tpu.memory_space<semaphore_mem>>
    %dma_start3A_668 = arith.constant 0 : i32
    %dma_start3A_669 = arith.constant 0 : i32
    %dma_start3A_670 = tpu.memref_slice %arg4[%add3A_657, %dma_start3A_668, %dma_start3A_669] : memref<16384x1x768xf32, #tpu.memory_space<hbm>> -> memref<32x1x768xf32, #tpu.memory_space<hbm>>
    %dma_start3A_671 = arith.constant 64 : i32
    %dma_start3A_672 = arith.constant 0 : i32
    %dma_start3A_673 = arith.constant 0 : i32
    %dma_start3A_674 = tpu.memref_slice %arg6[%dma_start3A_671, %dma_start3A_672, %dma_start3A_673] : memref<128x1x768xf32, #tpu.memory_space<vmem>> -> memref<32x1x768xf32, #tpu.memory_space<vmem>>
    tpu.enqueue_dma source(%dma_start3A_674 : memref<32x1x768xf32, #tpu.memory_space<vmem>>) target(%dma_start3A_670 : memref<32x1x768xf32, #tpu.memory_space<hbm>>) target_semaphore(%dma_start3A_667 : memref<!tpu.dma_semaphore, #tpu.memory_space<semaphore_mem>>)
    %dma_wait3A_675 = arith.constant 1 : i32
    %dma_wait3A_676 = arith.constant 32 : i32
    %dma_wait3A_677 = arith.constant 0 : i32
    %dma_wait3A_678 = arith.constant 0 : i32
    %dma_wait3A_679 = tpu.memref_slice %arg6[%dma_wait3A_676, %dma_wait3A_677, %dma_wait3A_678] : memref<128x1x768xf32, #tpu.memory_space<vmem>> -> memref<32x1x768xf32, #tpu.memory_space<vmem>>
    %dma_wait3A_680 = arith.constant 0 : i32
    %dma_wait3A_681 = arith.constant 0 : i32
    %dma_wait3A_682 = tpu.memref_slice %arg4[%add3A_595, %dma_wait3A_680, %dma_wait3A_681] : memref<16384x1x768xf32, #tpu.memory_space<hbm>> -> memref<32x1x768xf32, #tpu.memory_space<hbm>>
    %dma_wait3A_683 = tpu.memref_slice %arg8[%dma_wait3A_675] : memref<4x!tpu.dma_semaphore, #tpu.memory_space<semaphore_mem>> -> memref<1x!tpu.dma_semaphore, #tpu.memory_space<semaphore_mem>>
    %dma_wait3A_684 = tpu.memref_squeeze %dma_wait3A_683 : memref<1x!tpu.dma_semaphore, #tpu.memory_space<semaphore_mem>> -> memref<!tpu.dma_semaphore, #tpu.memory_space<semaphore_mem>>
    %dma_wait3A_685 = arith.constant 0 : i32
    %dma_wait3A_686 = arith.constant 0 : i32
    %dma_wait3A_687 = tpu.memref_slice %arg4[%add3A_595, %dma_wait3A_685, %dma_wait3A_686] : memref<16384x1x768xf32, #tpu.memory_space<hbm>> -> memref<32x1x768xf32, #tpu.memory_space<hbm>>
    %dma_wait3A_688 = arith.constant 32 : i32
    %dma_wait3A_689 = arith.constant 0 : i32
    %dma_wait3A_690 = arith.constant 0 : i32
    %dma_wait3A_691 = tpu.memref_slice %arg6[%dma_wait3A_688, %dma_wait3A_689, %dma_wait3A_690] : memref<128x1x768xf32, #tpu.memory_space<vmem>> -> memref<32x1x768xf32, #tpu.memory_space<vmem>>
    tpu.wait_dma2 semaphore(%dma_wait3A_684 : memref<!tpu.dma_semaphore, #tpu.memory_space<semaphore_mem>>) src(%dma_wait3A_691 : memref<32x1x768xf32, #tpu.memory_space<vmem>>) dst(%dma_wait3A_687 : memref<32x1x768xf32, #tpu.memory_space<hbm>>)
    %dma_start3A_692 = arith.constant 1 : i32
    %dma_start3A_693 = arith.constant 32 : i32
    %dma_start3A_694 = arith.constant 0 : i32
    %dma_start3A_695 = arith.constant 0 : i32
    %dma_start3A_696 = tpu.memref_slice %arg6[%dma_start3A_693, %dma_start3A_694, %dma_start3A_695] : memref<128x1x768xf32, #tpu.memory_space<vmem>> -> memref<32x1x768xf32, #tpu.memory_space<vmem>>
    %dma_start3A_697 = arith.constant 416 : i32
    %dma_start3A_698 = tpu.memref_slice %arg5[%dma_start3A_697] : memref<512xi32, #tpu.memory_space<vmem>> -> memref<32xi32, #tpu.memory_space<vmem>>
    %dma_start3A_699 = arith.constant 0 : i32
    %dma_start3A_700 = arith.constant 0 : i32
    %dma_start3A_701 = arith.constant 0 : i32
    %dma_start3A_702 = tpu.memref_slice %arg3[%dma_start3A_699, %dma_start3A_700, %dma_start3A_701] : memref<100000x1x768xf32, #tpu.memory_space<hbm>> -> memref<100000x1x768xf32, #tpu.memory_space<hbm>>
    %dma_start3A_703 = tpu.memref_slice %arg7[%dma_start3A_692] : memref<4x!tpu.dma_semaphore, #tpu.memory_space<semaphore_mem>> -> memref<1x!tpu.dma_semaphore, #tpu.memory_space<semaphore_mem>>
    %dma_start3A_704 = tpu.memref_squeeze %dma_start3A_703 : memref<1x!tpu.dma_semaphore, #tpu.memory_space<semaphore_mem>> -> memref<!tpu.dma_semaphore, #tpu.memory_space<semaphore_mem>>
    tpu.enqueue_indirect_dma source(%dma_start3A_702 : memref<100000x1x768xf32, #tpu.memory_space<hbm>>) target(%dma_start3A_696 : memref<32x1x768xf32, #tpu.memory_space<vmem>>) offsets(%dma_start3A_698 : memref<32xi32, #tpu.memory_space<vmem>>) semaphore(%dma_start3A_704 : memref<!tpu.dma_semaphore, #tpu.memory_space<semaphore_mem>>)
    %dma_wait3A_705 = arith.constant 3 : i32
    %dma_wait3A_706 = arith.constant 96 : i32
    %dma_wait3A_707 = arith.constant 0 : i32
    %dma_wait3A_708 = arith.constant 0 : i32
    %dma_wait3A_709 = tpu.memref_slice %arg6[%dma_wait3A_706, %dma_wait3A_707, %dma_wait3A_708] : memref<128x1x768xf32, #tpu.memory_space<vmem>> -> memref<32x1x768xf32, #tpu.memory_space<vmem>>
    %dma_wait3A_710 = arith.constant 352 : i32
    %dma_wait3A_711 = tpu.memref_slice %arg5[%dma_wait3A_710] : memref<512xi32, #tpu.memory_space<vmem>> -> memref<32xi32, #tpu.memory_space<vmem>>
    %dma_wait3A_712 = arith.constant 0 : i32
    %dma_wait3A_713 = arith.constant 0 : i32
    %dma_wait3A_714 = arith.constant 0 : i32
    %dma_wait3A_715 = tpu.memref_slice %arg3[%dma_wait3A_712, %dma_wait3A_713, %dma_wait3A_714] : memref<100000x1x768xf32, #tpu.memory_space<hbm>> -> memref<100000x1x768xf32, #tpu.memory_space<hbm>>
    %dma_wait3A_716 = tpu.memref_slice %arg7[%dma_wait3A_705] : memref<4x!tpu.dma_semaphore, #tpu.memory_space<semaphore_mem>> -> memref<1x!tpu.dma_semaphore, #tpu.memory_space<semaphore_mem>>
    %dma_wait3A_717 = tpu.memref_squeeze %dma_wait3A_716 : memref<1x!tpu.dma_semaphore, #tpu.memory_space<semaphore_mem>> -> memref<!tpu.dma_semaphore, #tpu.memory_space<semaphore_mem>>
    tpu.wait_indirect_dma semaphore(%dma_wait3A_717 : memref<!tpu.dma_semaphore, #tpu.memory_space<semaphore_mem>>) src(%dma_wait3A_715 : memref<100000x1x768xf32, #tpu.memory_space<hbm>>) dst(%dma_wait3A_709 : memref<32x1x768xf32, #tpu.memory_space<vmem>>)
    %add3A_718 = arith.constant 352 : i32
    %add3A_719 = arith.addi %mul3A_2, %add3A_718 : i32
    %dma_start3A_720 = arith.constant 3 : i32
    %dma_start3A_721 = arith.constant 96 : i32
    %dma_start3A_722 = arith.constant 0 : i32
    %dma_start3A_723 = arith.constant 0 : i32
    %dma_start3A_724 = tpu.memref_slice %arg6[%dma_start3A_721, %dma_start3A_722, %dma_start3A_723] : memref<128x1x768xf32, #tpu.memory_space<vmem>> -> memref<32x1x768xf32, #tpu.memory_space<vmem>>
    %dma_start3A_725 = arith.constant 0 : i32
    %dma_start3A_726 = arith.constant 0 : i32
    %dma_start3A_727 = tpu.memref_slice %arg4[%add3A_719, %dma_start3A_725, %dma_start3A_726] : memref<16384x1x768xf32, #tpu.memory_space<hbm>> -> memref<32x1x768xf32, #tpu.memory_space<hbm>>
    %dma_start3A_728 = tpu.memref_slice %arg8[%dma_start3A_720] : memref<4x!tpu.dma_semaphore, #tpu.memory_space<semaphore_mem>> -> memref<1x!tpu.dma_semaphore, #tpu.memory_space<semaphore_mem>>
    %dma_start3A_729 = tpu.memref_squeeze %dma_start3A_728 : memref<1x!tpu.dma_semaphore, #tpu.memory_space<semaphore_mem>> -> memref<!tpu.dma_semaphore, #tpu.memory_space<semaphore_mem>>
    %dma_start3A_730 = arith.constant 0 : i32
    %dma_start3A_731 = arith.constant 0 : i32
    %dma_start3A_732 = tpu.memref_slice %arg4[%add3A_719, %dma_start3A_730, %dma_start3A_731] : memref<16384x1x768xf32, #tpu.memory_space<hbm>> -> memref<32x1x768xf32, #tpu.memory_space<hbm>>
    %dma_start3A_733 = arith.constant 96 : i32
    %dma_start3A_734 = arith.constant 0 : i32
    %dma_start3A_735 = arith.constant 0 : i32
    %dma_start3A_736 = tpu.memref_slice %arg6[%dma_start3A_733, %dma_start3A_734, %dma_start3A_735] : memref<128x1x768xf32, #tpu.memory_space<vmem>> -> memref<32x1x768xf32, #tpu.memory_space<vmem>>
    tpu.enqueue_dma source(%dma_start3A_736 : memref<32x1x768xf32, #tpu.memory_space<vmem>>) target(%dma_start3A_732 : memref<32x1x768xf32, #tpu.memory_space<hbm>>) target_semaphore(%dma_start3A_729 : memref<!tpu.dma_semaphore, #tpu.memory_space<semaphore_mem>>)
    %dma_wait3A_737 = arith.constant 2 : i32
    %dma_wait3A_738 = arith.constant 64 : i32
    %dma_wait3A_739 = arith.constant 0 : i32
    %dma_wait3A_740 = arith.constant 0 : i32
    %dma_wait3A_741 = tpu.memref_slice %arg6[%dma_wait3A_738, %dma_wait3A_739, %dma_wait3A_740] : memref<128x1x768xf32, #tpu.memory_space<vmem>> -> memref<32x1x768xf32, #tpu.memory_space<vmem>>
    %dma_wait3A_742 = arith.constant 0 : i32
    %dma_wait3A_743 = arith.constant 0 : i32
    %dma_wait3A_744 = tpu.memref_slice %arg4[%add3A_657, %dma_wait3A_742, %dma_wait3A_743] : memref<16384x1x768xf32, #tpu.memory_space<hbm>> -> memref<32x1x768xf32, #tpu.memory_space<hbm>>
    %dma_wait3A_745 = tpu.memref_slice %arg8[%dma_wait3A_737] : memref<4x!tpu.dma_semaphore, #tpu.memory_space<semaphore_mem>> -> memref<1x!tpu.dma_semaphore, #tpu.memory_space<semaphore_mem>>
    %dma_wait3A_746 = tpu.memref_squeeze %dma_wait3A_745 : memref<1x!tpu.dma_semaphore, #tpu.memory_space<semaphore_mem>> -> memref<!tpu.dma_semaphore, #tpu.memory_space<semaphore_mem>>
    %dma_wait3A_747 = arith.constant 0 : i32
    %dma_wait3A_748 = arith.constant 0 : i32
    %dma_wait3A_749 = tpu.memref_slice %arg4[%add3A_657, %dma_wait3A_747, %dma_wait3A_748] : memref<16384x1x768xf32, #tpu.memory_space<hbm>> -> memref<32x1x768xf32, #tpu.memory_space<hbm>>
    %dma_wait3A_750 = arith.constant 64 : i32
    %dma_wait3A_751 = arith.constant 0 : i32
    %dma_wait3A_752 = arith.constant 0 : i32
    %dma_wait3A_753 = tpu.memref_slice %arg6[%dma_wait3A_750, %dma_wait3A_751, %dma_wait3A_752] : memref<128x1x768xf32, #tpu.memory_space<vmem>> -> memref<32x1x768xf32, #tpu.memory_space<vmem>>
    tpu.wait_dma2 semaphore(%dma_wait3A_746 : memref<!tpu.dma_semaphore, #tpu.memory_space<semaphore_mem>>) src(%dma_wait3A_753 : memref<32x1x768xf32, #tpu.memory_space<vmem>>) dst(%dma_wait3A_749 : memref<32x1x768xf32, #tpu.memory_space<hbm>>)
    %dma_start3A_754 = arith.constant 2 : i32
    %dma_start3A_755 = arith.constant 64 : i32
    %dma_start3A_756 = arith.constant 0 : i32
    %dma_start3A_757 = arith.constant 0 : i32
    %dma_start3A_758 = tpu.memref_slice %arg6[%dma_start3A_755, %dma_start3A_756, %dma_start3A_757] : memref<128x1x768xf32, #tpu.memory_space<vmem>> -> memref<32x1x768xf32, #tpu.memory_space<vmem>>
    %dma_start3A_759 = arith.constant 448 : i32
    %dma_start3A_760 = tpu.memref_slice %arg5[%dma_start3A_759] : memref<512xi32, #tpu.memory_space<vmem>> -> memref<32xi32, #tpu.memory_space<vmem>>
    %dma_start3A_761 = arith.constant 0 : i32
    %dma_start3A_762 = arith.constant 0 : i32
    %dma_start3A_763 = arith.constant 0 : i32
    %dma_start3A_764 = tpu.memref_slice %arg3[%dma_start3A_761, %dma_start3A_762, %dma_start3A_763] : memref<100000x1x768xf32, #tpu.memory_space<hbm>> -> memref<100000x1x768xf32, #tpu.memory_space<hbm>>
    %dma_start3A_765 = tpu.memref_slice %arg7[%dma_start3A_754] : memref<4x!tpu.dma_semaphore, #tpu.memory_space<semaphore_mem>> -> memref<1x!tpu.dma_semaphore, #tpu.memory_space<semaphore_mem>>
    %dma_start3A_766 = tpu.memref_squeeze %dma_start3A_765 : memref<1x!tpu.dma_semaphore, #tpu.memory_space<semaphore_mem>> -> memref<!tpu.dma_semaphore, #tpu.memory_space<semaphore_mem>>
    tpu.enqueue_indirect_dma source(%dma_start3A_764 : memref<100000x1x768xf32, #tpu.memory_space<hbm>>) target(%dma_start3A_758 : memref<32x1x768xf32, #tpu.memory_space<vmem>>) offsets(%dma_start3A_760 : memref<32xi32, #tpu.memory_space<vmem>>) semaphore(%dma_start3A_766 : memref<!tpu.dma_semaphore, #tpu.memory_space<semaphore_mem>>)
    %dma_wait3A_767 = arith.constant 0 : i32
    %dma_wait3A_768 = arith.constant 0 : i32
    %dma_wait3A_769 = arith.constant 0 : i32
    %dma_wait3A_770 = arith.constant 0 : i32
    %dma_wait3A_771 = tpu.memref_slice %arg6[%dma_wait3A_768, %dma_wait3A_769, %dma_wait3A_770] : memref<128x1x768xf32, #tpu.memory_space<vmem>> -> memref<32x1x768xf32, #tpu.memory_space<vmem>>
    %dma_wait3A_772 = arith.constant 384 : i32
    %dma_wait3A_773 = tpu.memref_slice %arg5[%dma_wait3A_772] : memref<512xi32, #tpu.memory_space<vmem>> -> memref<32xi32, #tpu.memory_space<vmem>>
    %dma_wait3A_774 = arith.constant 0 : i32
    %dma_wait3A_775 = arith.constant 0 : i32
    %dma_wait3A_776 = arith.constant 0 : i32
    %dma_wait3A_777 = tpu.memref_slice %arg3[%dma_wait3A_774, %dma_wait3A_775, %dma_wait3A_776] : memref<100000x1x768xf32, #tpu.memory_space<hbm>> -> memref<100000x1x768xf32, #tpu.memory_space<hbm>>
    %dma_wait3A_778 = tpu.memref_slice %arg7[%dma_wait3A_767] : memref<4x!tpu.dma_semaphore, #tpu.memory_space<semaphore_mem>> -> memref<1x!tpu.dma_semaphore, #tpu.memory_space<semaphore_mem>>
    %dma_wait3A_779 = tpu.memref_squeeze %dma_wait3A_778 : memref<1x!tpu.dma_semaphore, #tpu.memory_space<semaphore_mem>> -> memref<!tpu.dma_semaphore, #tpu.memory_space<semaphore_mem>>
    tpu.wait_indirect_dma semaphore(%dma_wait3A_779 : memref<!tpu.dma_semaphore, #tpu.memory_space<semaphore_mem>>) src(%dma_wait3A_777 : memref<100000x1x768xf32, #tpu.memory_space<hbm>>) dst(%dma_wait3A_771 : memref<32x1x768xf32, #tpu.memory_space<vmem>>)
    %add3A_780 = arith.constant 384 : i32
    %add3A_781 = arith.addi %mul3A_2, %add3A_780 : i32
    %dma_start3A_782 = arith.constant 0 : i32
    %dma_start3A_783 = arith.constant 0 : i32
    %dma_start3A_784 = arith.constant 0 : i32
    %dma_start3A_785 = arith.constant 0 : i32
    %dma_start3A_786 = tpu.memref_slice %arg6[%dma_start3A_783, %dma_start3A_784, %dma_start3A_785] : memref<128x1x768xf32, #tpu.memory_space<vmem>> -> memref<32x1x768xf32, #tpu.memory_space<vmem>>
    %dma_start3A_787 = arith.constant 0 : i32
    %dma_start3A_788 = arith.constant 0 : i32
    %dma_start3A_789 = tpu.memref_slice %arg4[%add3A_781, %dma_start3A_787, %dma_start3A_788] : memref<16384x1x768xf32, #tpu.memory_space<hbm>> -> memref<32x1x768xf32, #tpu.memory_space<hbm>>
    %dma_start3A_790 = tpu.memref_slice %arg8[%dma_start3A_782] : memref<4x!tpu.dma_semaphore, #tpu.memory_space<semaphore_mem>> -> memref<1x!tpu.dma_semaphore, #tpu.memory_space<semaphore_mem>>
    %dma_start3A_791 = tpu.memref_squeeze %dma_start3A_790 : memref<1x!tpu.dma_semaphore, #tpu.memory_space<semaphore_mem>> -> memref<!tpu.dma_semaphore, #tpu.memory_space<semaphore_mem>>
    %dma_start3A_792 = arith.constant 0 : i32
    %dma_start3A_793 = arith.constant 0 : i32
    %dma_start3A_794 = tpu.memref_slice %arg4[%add3A_781, %dma_start3A_792, %dma_start3A_793] : memref<16384x1x768xf32, #tpu.memory_space<hbm>> -> memref<32x1x768xf32, #tpu.memory_space<hbm>>
    %dma_start3A_795 = arith.constant 0 : i32
    %dma_start3A_796 = arith.constant 0 : i32
    %dma_start3A_797 = arith.constant 0 : i32
    %dma_start3A_798 = tpu.memref_slice %arg6[%dma_start3A_795, %dma_start3A_796, %dma_start3A_797] : memref<128x1x768xf32, #tpu.memory_space<vmem>> -> memref<32x1x768xf32, #tpu.memory_space<vmem>>
    tpu.enqueue_dma source(%dma_start3A_798 : memref<32x1x768xf32, #tpu.memory_space<vmem>>) target(%dma_start3A_794 : memref<32x1x768xf32, #tpu.memory_space<hbm>>) target_semaphore(%dma_start3A_791 : memref<!tpu.dma_semaphore, #tpu.memory_space<semaphore_mem>>)
    %dma_wait3A_799 = arith.constant 3 : i32
    %dma_wait3A_800 = arith.constant 96 : i32
    %dma_wait3A_801 = arith.constant 0 : i32
    %dma_wait3A_802 = arith.constant 0 : i32
    %dma_wait3A_803 = tpu.memref_slice %arg6[%dma_wait3A_800, %dma_wait3A_801, %dma_wait3A_802] : memref<128x1x768xf32, #tpu.memory_space<vmem>> -> memref<32x1x768xf32, #tpu.memory_space<vmem>>
    %dma_wait3A_804 = arith.constant 0 : i32
    %dma_wait3A_805 = arith.constant 0 : i32
    %dma_wait3A_806 = tpu.memref_slice %arg4[%add3A_719, %dma_wait3A_804, %dma_wait3A_805] : memref<16384x1x768xf32, #tpu.memory_space<hbm>> -> memref<32x1x768xf32, #tpu.memory_space<hbm>>
    %dma_wait3A_807 = tpu.memref_slice %arg8[%dma_wait3A_799] : memref<4x!tpu.dma_semaphore, #tpu.memory_space<semaphore_mem>> -> memref<1x!tpu.dma_semaphore, #tpu.memory_space<semaphore_mem>>
    %dma_wait3A_808 = tpu.memref_squeeze %dma_wait3A_807 : memref<1x!tpu.dma_semaphore, #tpu.memory_space<semaphore_mem>> -> memref<!tpu.dma_semaphore, #tpu.memory_space<semaphore_mem>>
    %dma_wait3A_809 = arith.constant 0 : i32
    %dma_wait3A_810 = arith.constant 0 : i32
    %dma_wait3A_811 = tpu.memref_slice %arg4[%add3A_719, %dma_wait3A_809, %dma_wait3A_810] : memref<16384x1x768xf32, #tpu.memory_space<hbm>> -> memref<32x1x768xf32, #tpu.memory_space<hbm>>
    %dma_wait3A_812 = arith.constant 96 : i32
    %dma_wait3A_813 = arith.constant 0 : i32
    %dma_wait3A_814 = arith.constant 0 : i32
    %dma_wait3A_815 = tpu.memref_slice %arg6[%dma_wait3A_812, %dma_wait3A_813, %dma_wait3A_814] : memref<128x1x768xf32, #tpu.memory_space<vmem>> -> memref<32x1x768xf32, #tpu.memory_space<vmem>>
    tpu.wait_dma2 semaphore(%dma_wait3A_808 : memref<!tpu.dma_semaphore, #tpu.memory_space<semaphore_mem>>) src(%dma_wait3A_815 : memref<32x1x768xf32, #tpu.memory_space<vmem>>) dst(%dma_wait3A_811 : memref<32x1x768xf32, #tpu.memory_space<hbm>>)
    %dma_start3A_816 = arith.constant 3 : i32
    %dma_start3A_817 = arith.constant 96 : i32
    %dma_start3A_818 = arith.constant 0 : i32
    %dma_start3A_819 = arith.constant 0 : i32
    %dma_start3A_820 = tpu.memref_slice %arg6[%dma_start3A_817, %dma_start3A_818, %dma_start3A_819] : memref<128x1x768xf32, #tpu.memory_space<vmem>> -> memref<32x1x768xf32, #tpu.memory_space<vmem>>
    %dma_start3A_821 = arith.constant 480 : i32
    %dma_start3A_822 = tpu.memref_slice %arg5[%dma_start3A_821] : memref<512xi32, #tpu.memory_space<vmem>> -> memref<32xi32, #tpu.memory_space<vmem>>
    %dma_start3A_823 = arith.constant 0 : i32
    %dma_start3A_824 = arith.constant 0 : i32
    %dma_start3A_825 = arith.constant 0 : i32
    %dma_start3A_826 = tpu.memref_slice %arg3[%dma_start3A_823, %dma_start3A_824, %dma_start3A_825] : memref<100000x1x768xf32, #tpu.memory_space<hbm>> -> memref<100000x1x768xf32, #tpu.memory_space<hbm>>
    %dma_start3A_827 = tpu.memref_slice %arg7[%dma_start3A_816] : memref<4x!tpu.dma_semaphore, #tpu.memory_space<semaphore_mem>> -> memref<1x!tpu.dma_semaphore, #tpu.memory_space<semaphore_mem>>
    %dma_start3A_828 = tpu.memref_squeeze %dma_start3A_827 : memref<1x!tpu.dma_semaphore, #tpu.memory_space<semaphore_mem>> -> memref<!tpu.dma_semaphore, #tpu.memory_space<semaphore_mem>>
    tpu.enqueue_indirect_dma source(%dma_start3A_826 : memref<100000x1x768xf32, #tpu.memory_space<hbm>>) target(%dma_start3A_820 : memref<32x1x768xf32, #tpu.memory_space<vmem>>) offsets(%dma_start3A_822 : memref<32xi32, #tpu.memory_space<vmem>>) semaphore(%dma_start3A_828 : memref<!tpu.dma_semaphore, #tpu.memory_space<semaphore_mem>>)
    %dma_wait3A_829 = arith.constant 1 : i32
    %dma_wait3A_830 = arith.constant 32 : i32
    %dma_wait3A_831 = arith.constant 0 : i32
    %dma_wait3A_832 = arith.constant 0 : i32
    %dma_wait3A_833 = tpu.memref_slice %arg6[%dma_wait3A_830, %dma_wait3A_831, %dma_wait3A_832] : memref<128x1x768xf32, #tpu.memory_space<vmem>> -> memref<32x1x768xf32, #tpu.memory_space<vmem>>
    %dma_wait3A_834 = arith.constant 416 : i32
    %dma_wait3A_835 = tpu.memref_slice %arg5[%dma_wait3A_834] : memref<512xi32, #tpu.memory_space<vmem>> -> memref<32xi32, #tpu.memory_space<vmem>>
    %dma_wait3A_836 = arith.constant 0 : i32
    %dma_wait3A_837 = arith.constant 0 : i32
    %dma_wait3A_838 = arith.constant 0 : i32
    %dma_wait3A_839 = tpu.memref_slice %arg3[%dma_wait3A_836, %dma_wait3A_837, %dma_wait3A_838] : memref<100000x1x768xf32, #tpu.memory_space<hbm>> -> memref<100000x1x768xf32, #tpu.memory_space<hbm>>
    %dma_wait3A_840 = tpu.memref_slice %arg7[%dma_wait3A_829] : memref<4x!tpu.dma_semaphore, #tpu.memory_space<semaphore_mem>> -> memref<1x!tpu.dma_semaphore, #tpu.memory_space<semaphore_mem>>
    %dma_wait3A_841 = tpu.memref_squeeze %dma_wait3A_840 : memref<1x!tpu.dma_semaphore, #tpu.memory_space<semaphore_mem>> -> memref<!tpu.dma_semaphore, #tpu.memory_space<semaphore_mem>>
    tpu.wait_indirect_dma semaphore(%dma_wait3A_841 : memref<!tpu.dma_semaphore, #tpu.memory_space<semaphore_mem>>) src(%dma_wait3A_839 : memref<100000x1x768xf32, #tpu.memory_space<hbm>>) dst(%dma_wait3A_833 : memref<32x1x768xf32, #tpu.memory_space<vmem>>)
    %add3A_842 = arith.constant 416 : i32
    %add3A_843 = arith.addi %mul3A_2, %add3A_842 : i32
    %dma_start3A_844 = arith.constant 1 : i32
    %dma_start3A_845 = arith.constant 32 : i32
    %dma_start3A_846 = arith.constant 0 : i32
    %dma_start3A_847 = arith.constant 0 : i32
    %dma_start3A_848 = tpu.memref_slice %arg6[%dma_start3A_845, %dma_start3A_846, %dma_start3A_847] : memref<128x1x768xf32, #tpu.memory_space<vmem>> -> memref<32x1x768xf32, #tpu.memory_space<vmem>>
    %dma_start3A_849 = arith.constant 0 : i32
    %dma_start3A_850 = arith.constant 0 : i32
    %dma_start3A_851 = tpu.memref_slice %arg4[%add3A_843, %dma_start3A_849, %dma_start3A_850] : memref<16384x1x768xf32, #tpu.memory_space<hbm>> -> memref<32x1x768xf32, #tpu.memory_space<hbm>>
    %dma_start3A_852 = tpu.memref_slice %arg8[%dma_start3A_844] : memref<4x!tpu.dma_semaphore, #tpu.memory_space<semaphore_mem>> -> memref<1x!tpu.dma_semaphore, #tpu.memory_space<semaphore_mem>>
    %dma_start3A_853 = tpu.memref_squeeze %dma_start3A_852 : memref<1x!tpu.dma_semaphore, #tpu.memory_space<semaphore_mem>> -> memref<!tpu.dma_semaphore, #tpu.memory_space<semaphore_mem>>
    %dma_start3A_854 = arith.constant 0 : i32
    %dma_start3A_855 = arith.constant 0 : i32
    %dma_start3A_856 = tpu.memref_slice %arg4[%add3A_843, %dma_start3A_854, %dma_start3A_855] : memref<16384x1x768xf32, #tpu.memory_space<hbm>> -> memref<32x1x768xf32, #tpu.memory_space<hbm>>
    %dma_start3A_857 = arith.constant 32 : i32
    %dma_start3A_858 = arith.constant 0 : i32
    %dma_start3A_859 = arith.constant 0 : i32
    %dma_start3A_860 = tpu.memref_slice %arg6[%dma_start3A_857, %dma_start3A_858, %dma_start3A_859] : memref<128x1x768xf32, #tpu.memory_space<vmem>> -> memref<32x1x768xf32, #tpu.memory_space<vmem>>
    tpu.enqueue_dma source(%dma_start3A_860 : memref<32x1x768xf32, #tpu.memory_space<vmem>>) target(%dma_start3A_856 : memref<32x1x768xf32, #tpu.memory_space<hbm>>) target_semaphore(%dma_start3A_853 : memref<!tpu.dma_semaphore, #tpu.memory_space<semaphore_mem>>)
    %dma_wait3A_861 = arith.constant 2 : i32
    %dma_wait3A_862 = arith.constant 64 : i32
    %dma_wait3A_863 = arith.constant 0 : i32
    %dma_wait3A_864 = arith.constant 0 : i32
    %dma_wait3A_865 = tpu.memref_slice %arg6[%dma_wait3A_862, %dma_wait3A_863, %dma_wait3A_864] : memref<128x1x768xf32, #tpu.memory_space<vmem>> -> memref<32x1x768xf32, #tpu.memory_space<vmem>>
    %dma_wait3A_866 = arith.constant 448 : i32
    %dma_wait3A_867 = tpu.memref_slice %arg5[%dma_wait3A_866] : memref<512xi32, #tpu.memory_space<vmem>> -> memref<32xi32, #tpu.memory_space<vmem>>
    %dma_wait3A_868 = arith.constant 0 : i32
    %dma_wait3A_869 = arith.constant 0 : i32
    %dma_wait3A_870 = arith.constant 0 : i32
    %dma_wait3A_871 = tpu.memref_slice %arg3[%dma_wait3A_868, %dma_wait3A_869, %dma_wait3A_870] : memref<100000x1x768xf32, #tpu.memory_space<hbm>> -> memref<100000x1x768xf32, #tpu.memory_space<hbm>>
    %dma_wait3A_872 = tpu.memref_slice %arg7[%dma_wait3A_861] : memref<4x!tpu.dma_semaphore, #tpu.memory_space<semaphore_mem>> -> memref<1x!tpu.dma_semaphore, #tpu.memory_space<semaphore_mem>>
    %dma_wait3A_873 = tpu.memref_squeeze %dma_wait3A_872 : memref<1x!tpu.dma_semaphore, #tpu.memory_space<semaphore_mem>> -> memref<!tpu.dma_semaphore, #tpu.memory_space<semaphore_mem>>
    tpu.wait_indirect_dma semaphore(%dma_wait3A_873 : memref<!tpu.dma_semaphore, #tpu.memory_space<semaphore_mem>>) src(%dma_wait3A_871 : memref<100000x1x768xf32, #tpu.memory_space<hbm>>) dst(%dma_wait3A_865 : memref<32x1x768xf32, #tpu.memory_space<vmem>>)
    %add3A_874 = arith.constant 448 : i32
    %add3A_875 = arith.addi %mul3A_2, %add3A_874 : i32
    %dma_start3A_876 = arith.constant 2 : i32
    %dma_start3A_877 = arith.constant 64 : i32
    %dma_start3A_878 = arith.constant 0 : i32
    %dma_start3A_879 = arith.constant 0 : i32
    %dma_start3A_880 = tpu.memref_slice %arg6[%dma_start3A_877, %dma_start3A_878, %dma_start3A_879] : memref<128x1x768xf32, #tpu.memory_space<vmem>> -> memref<32x1x768xf32, #tpu.memory_space<vmem>>
    %dma_start3A_881 = arith.constant 0 : i32
    %dma_start3A_882 = arith.constant 0 : i32
    %dma_start3A_883 = tpu.memref_slice %arg4[%add3A_875, %dma_start3A_881, %dma_start3A_882] : memref<16384x1x768xf32, #tpu.memory_space<hbm>> -> memref<32x1x768xf32, #tpu.memory_space<hbm>>
    %dma_start3A_884 = tpu.memref_slice %arg8[%dma_start3A_876] : memref<4x!tpu.dma_semaphore, #tpu.memory_space<semaphore_mem>> -> memref<1x!tpu.dma_semaphore, #tpu.memory_space<semaphore_mem>>
    %dma_start3A_885 = tpu.memref_squeeze %dma_start3A_884 : memref<1x!tpu.dma_semaphore, #tpu.memory_space<semaphore_mem>> -> memref<!tpu.dma_semaphore, #tpu.memory_space<semaphore_mem>>
    %dma_start3A_886 = arith.constant 0 : i32
    %dma_start3A_887 = arith.constant 0 : i32
    %dma_start3A_888 = tpu.memref_slice %arg4[%add3A_875, %dma_start3A_886, %dma_start3A_887] : memref<16384x1x768xf32, #tpu.memory_space<hbm>> -> memref<32x1x768xf32, #tpu.memory_space<hbm>>
    %dma_start3A_889 = arith.constant 64 : i32
    %dma_start3A_890 = arith.constant 0 : i32
    %dma_start3A_891 = arith.constant 0 : i32
    %dma_start3A_892 = tpu.memref_slice %arg6[%dma_start3A_889, %dma_start3A_890, %dma_start3A_891] : memref<128x1x768xf32, #tpu.memory_space<vmem>> -> memref<32x1x768xf32, #tpu.memory_space<vmem>>
    tpu.enqueue_dma source(%dma_start3A_892 : memref<32x1x768xf32, #tpu.memory_space<vmem>>) target(%dma_start3A_888 : memref<32x1x768xf32, #tpu.memory_space<hbm>>) target_semaphore(%dma_start3A_885 : memref<!tpu.dma_semaphore, #tpu.memory_space<semaphore_mem>>)
    %dma_wait3A_893 = arith.constant 3 : i32
    %dma_wait3A_894 = arith.constant 96 : i32
    %dma_wait3A_895 = arith.constant 0 : i32
    %dma_wait3A_896 = arith.constant 0 : i32
    %dma_wait3A_897 = tpu.memref_slice %arg6[%dma_wait3A_894, %dma_wait3A_895, %dma_wait3A_896] : memref<128x1x768xf32, #tpu.memory_space<vmem>> -> memref<32x1x768xf32, #tpu.memory_space<vmem>>
    %dma_wait3A_898 = arith.constant 480 : i32
    %dma_wait3A_899 = tpu.memref_slice %arg5[%dma_wait3A_898] : memref<512xi32, #tpu.memory_space<vmem>> -> memref<32xi32, #tpu.memory_space<vmem>>
    %dma_wait3A_900 = arith.constant 0 : i32
    %dma_wait3A_901 = arith.constant 0 : i32
    %dma_wait3A_902 = arith.constant 0 : i32
    %dma_wait3A_903 = tpu.memref_slice %arg3[%dma_wait3A_900, %dma_wait3A_901, %dma_wait3A_902] : memref<100000x1x768xf32, #tpu.memory_space<hbm>> -> memref<100000x1x768xf32, #tpu.memory_space<hbm>>
    %dma_wait3A_904 = tpu.memref_slice %arg7[%dma_wait3A_893] : memref<4x!tpu.dma_semaphore, #tpu.memory_space<semaphore_mem>> -> memref<1x!tpu.dma_semaphore, #tpu.memory_space<semaphore_mem>>
    %dma_wait3A_905 = tpu.memref_squeeze %dma_wait3A_904 : memref<1x!tpu.dma_semaphore, #tpu.memory_space<semaphore_mem>> -> memref<!tpu.dma_semaphore, #tpu.memory_space<semaphore_mem>>
    tpu.wait_indirect_dma semaphore(%dma_wait3A_905 : memref<!tpu.dma_semaphore, #tpu.memory_space<semaphore_mem>>) src(%dma_wait3A_903 : memref<100000x1x768xf32, #tpu.memory_space<hbm>>) dst(%dma_wait3A_897 : memref<32x1x768xf32, #tpu.memory_space<vmem>>)
    %add3A_906 = arith.constant 480 : i32
    %add3A_907 = arith.addi %mul3A_2, %add3A_906 : i32
    %dma_start3A_908 = arith.constant 3 : i32
    %dma_start3A_909 = arith.constant 96 : i32
    %dma_start3A_910 = arith.constant 0 : i32
    %dma_start3A_911 = arith.constant 0 : i32
    %dma_start3A_912 = tpu.memref_slice %arg6[%dma_start3A_909, %dma_start3A_910, %dma_start3A_911] : memref<128x1x768xf32, #tpu.memory_space<vmem>> -> memref<32x1x768xf32, #tpu.memory_space<vmem>>
    %dma_start3A_913 = arith.constant 0 : i32
    %dma_start3A_914 = arith.constant 0 : i32
    %dma_start3A_915 = tpu.memref_slice %arg4[%add3A_907, %dma_start3A_913, %dma_start3A_914] : memref<16384x1x768xf32, #tpu.memory_space<hbm>> -> memref<32x1x768xf32, #tpu.memory_space<hbm>>
    %dma_start3A_916 = tpu.memref_slice %arg8[%dma_start3A_908] : memref<4x!tpu.dma_semaphore, #tpu.memory_space<semaphore_mem>> -> memref<1x!tpu.dma_semaphore, #tpu.memory_space<semaphore_mem>>
    %dma_start3A_917 = tpu.memref_squeeze %dma_start3A_916 : memref<1x!tpu.dma_semaphore, #tpu.memory_space<semaphore_mem>> -> memref<!tpu.dma_semaphore, #tpu.memory_space<semaphore_mem>>
    %dma_start3A_918 = arith.constant 0 : i32
    %dma_start3A_919 = arith.constant 0 : i32
    %dma_start3A_920 = tpu.memref_slice %arg4[%add3A_907, %dma_start3A_918, %dma_start3A_919] : memref<16384x1x768xf32, #tpu.memory_space<hbm>> -> memref<32x1x768xf32, #tpu.memory_space<hbm>>
    %dma_start3A_921 = arith.constant 96 : i32
    %dma_start3A_922 = arith.constant 0 : i32
    %dma_start3A_923 = arith.constant 0 : i32
    %dma_start3A_924 = tpu.memref_slice %arg6[%dma_start3A_921, %dma_start3A_922, %dma_start3A_923] : memref<128x1x768xf32, #tpu.memory_space<vmem>> -> memref<32x1x768xf32, #tpu.memory_space<vmem>>
    tpu.enqueue_dma source(%dma_start3A_924 : memref<32x1x768xf32, #tpu.memory_space<vmem>>) target(%dma_start3A_920 : memref<32x1x768xf32, #tpu.memory_space<hbm>>) target_semaphore(%dma_start3A_917 : memref<!tpu.dma_semaphore, #tpu.memory_space<semaphore_mem>>)
    %dma_wait3A_925 = arith.constant 2 : i32
    %dma_wait3A_926 = arith.constant 64 : i32
    %dma_wait3A_927 = arith.constant 0 : i32
    %dma_wait3A_928 = arith.constant 0 : i32
    %dma_wait3A_929 = tpu.memref_slice %arg6[%dma_wait3A_926, %dma_wait3A_927, %dma_wait3A_928] : memref<128x1x768xf32, #tpu.memory_space<vmem>> -> memref<32x1x768xf32, #tpu.memory_space<vmem>>
    %dma_wait3A_930 = arith.constant 0 : i32
    %dma_wait3A_931 = arith.constant 0 : i32
    %dma_wait3A_932 = tpu.memref_slice %arg4[%add3A_875, %dma_wait3A_930, %dma_wait3A_931] : memref<16384x1x768xf32, #tpu.memory_space<hbm>> -> memref<32x1x768xf32, #tpu.memory_space<hbm>>
    %dma_wait3A_933 = tpu.memref_slice %arg8[%dma_wait3A_925] : memref<4x!tpu.dma_semaphore, #tpu.memory_space<semaphore_mem>> -> memref<1x!tpu.dma_semaphore, #tpu.memory_space<semaphore_mem>>
    %dma_wait3A_934 = tpu.memref_squeeze %dma_wait3A_933 : memref<1x!tpu.dma_semaphore, #tpu.memory_space<semaphore_mem>> -> memref<!tpu.dma_semaphore, #tpu.memory_space<semaphore_mem>>
    %dma_wait3A_935 = arith.constant 0 : i32
    %dma_wait3A_936 = arith.constant 0 : i32
    %dma_wait3A_937 = tpu.memref_slice %arg4[%add3A_875, %dma_wait3A_935, %dma_wait3A_936] : memref<16384x1x768xf32, #tpu.memory_space<hbm>> -> memref<32x1x768xf32, #tpu.memory_space<hbm>>
    %dma_wait3A_938 = arith.constant 64 : i32
    %dma_wait3A_939 = arith.constant 0 : i32
    %dma_wait3A_940 = arith.constant 0 : i32
    %dma_wait3A_941 = tpu.memref_slice %arg6[%dma_wait3A_938, %dma_wait3A_939, %dma_wait3A_940] : memref<128x1x768xf32, #tpu.memory_space<vmem>> -> memref<32x1x768xf32, #tpu.memory_space<vmem>>
    tpu.wait_dma2 semaphore(%dma_wait3A_934 : memref<!tpu.dma_semaphore, #tpu.memory_space<semaphore_mem>>) src(%dma_wait3A_941 : memref<32x1x768xf32, #tpu.memory_space<vmem>>) dst(%dma_wait3A_937 : memref<32x1x768xf32, #tpu.memory_space<hbm>>)
    %dma_wait3A_942 = arith.constant 3 : i32
    %dma_wait3A_943 = arith.constant 96 : i32
    %dma_wait3A_944 = arith.constant 0 : i32
    %dma_wait3A_945 = arith.constant 0 : i32
    %dma_wait3A_946 = tpu.memref_slice %arg6[%dma_wait3A_943, %dma_wait3A_944, %dma_wait3A_945] : memref<128x1x768xf32, #tpu.memory_space<vmem>> -> memref<32x1x768xf32, #tpu.memory_space<vmem>>
    %dma_wait3A_947 = arith.constant 0 : i32
    %dma_wait3A_948 = arith.constant 0 : i32
    %dma_wait3A_949 = tpu.memref_slice %arg4[%add3A_907, %dma_wait3A_947, %dma_wait3A_948] : memref<16384x1x768xf32, #tpu.memory_space<hbm>> -> memref<32x1x768xf32, #tpu.memory_space<hbm>>
    %dma_wait3A_950 = tpu.memref_slice %arg8[%dma_wait3A_942] : memref<4x!tpu.dma_semaphore, #tpu.memory_space<semaphore_mem>> -> memref<1x!tpu.dma_semaphore, #tpu.memory_space<semaphore_mem>>
    %dma_wait3A_951 = tpu.memref_squeeze %dma_wait3A_950 : memref<1x!tpu.dma_semaphore, #tpu.memory_space<semaphore_mem>> -> memref<!tpu.dma_semaphore, #tpu.memory_space<semaphore_mem>>
    %dma_wait3A_952 = arith.constant 0 : i32
    %dma_wait3A_953 = arith.constant 0 : i32
    %dma_wait3A_954 = tpu.memref_slice %arg4[%add3A_907, %dma_wait3A_952, %dma_wait3A_953] : memref<16384x1x768xf32, #tpu.memory_space<hbm>> -> memref<32x1x768xf32, #tpu.memory_space<hbm>>
    %dma_wait3A_955 = arith.constant 96 : i32
    %dma_wait3A_956 = arith.constant 0 : i32
    %dma_wait3A_957 = arith.constant 0 : i32
    %dma_wait3A_958 = tpu.memref_slice %arg6[%dma_wait3A_955, %dma_wait3A_956, %dma_wait3A_957] : memref<128x1x768xf32, #tpu.memory_space<vmem>> -> memref<32x1x768xf32, #tpu.memory_space<vmem>>
    tpu.wait_dma2 semaphore(%dma_wait3A_951 : memref<!tpu.dma_semaphore, #tpu.memory_space<semaphore_mem>>) src(%dma_wait3A_958 : memref<32x1x768xf32, #tpu.memory_space<vmem>>) dst(%dma_wait3A_954 : memref<32x1x768xf32, #tpu.memory_space<hbm>>)
    return
  }
}

</mosaic_0001>

<sc_bundles>
// kernel: kernel.3.cloned.1.call-start
scs
__scs_entry_jumppad:
0x0: {  	(pc) =	sbr.rel $0x88, $3  }
0x1: {  	(tag) =	ssettag $0x0;
	lr =	simm.s32 $0x1  }
0x2: {  	[smem:$0x3F9F] =	sst lr;
	_ =	strace $0xD0000000  }
0x3: {  	_ = 	snop  }
0x4: {  	_ = 	snop  }
0x5: {  	_ = 	snop  }
0x6: {  	_ = 	snop  }
0x7: {  	_ = 	snop  }
__scs_overlays_trampoline_lowered:
0x8: {  	[smem:$0x3FAE] =	sst s0  }
0x9: {  	[smem:$0x3FAF] =	sst s1  }
0xa: {  	[smem:$0x3FB0] =	sst s2  }
0xb: {  	[smem:$0x3FB1] =	sst s3  }
0xc: {  	[smem:$0x3FB2] =	sst s4  }
0xd: {  	[smem:$0x3FB3] =	sst s5  }
0xe: {  	[smem:$0x3FB4] =	sst s6  }
0xf: {  	[smem:$0x3FB5] =	sst s7  }
0x10: {  	[smem:$0x3FB6] =	sst s8  }
0x11: {  	[smem:$0x3FB7] =	sst s9;
	s0 =	simm.s32 @!p0 $0x0  }
0x12: {  	s1 =	sld [smem:$0x3F9D];
	s0 =	simm.s32 @p0 $0x1  }
0x13: {  	[smem:$0x3FB8] =	sst s0;
	s0 =	simm.s32 @!p1 $0x0  }
0x14: {  	s2 =	sld [smem:$0x3F9C];
	s0 =	simm.s32 @p1 $0x1  }
0x15: {  	[smem:$0x3FB9] =	sst s0;
	s0 =	simm.s32 @!p2 $0x0  }
0x16: {  	s3 =	sld [smem:$0x3FDB];
	s0 =	simm.s32 @p2 $0x1  }
0x17: {  	s4 =	simm.s32 $0x1BF5;
	[smem:$0x3FBB] =	sst s0  }
0x18: {  	s0 =	sld [smem:$0x3F9E];
	_ =	swait.ge [sflag:s4], $0x0  }
0x19: {  	s7 =	sld [smem:$0x3F9F]  }
0x1a: {  	s8 =	sadd.s32 $0xFFFFE003, lr  }
0x1b: {  	s9 =	sadd.s32 $0xFFFFFEF7, lr;
	s5 =	simm.s32 $0xFFFFFFFF;
	p2 =	slt.u32 s8, $0xFFFFF086  }
0x1c: {  	p1 =	slt.u32 s9, $0xF7A;
	s5 =	simm.s32 @!p2 $0x0  }
0x1d: {  	s5 =	simm.s32 @p1 $0x1;
	p0 =	seq.s32 s7, s2  }
0x1e: {  	s7 =	smul.u32 @!p0 $0xF7A, s2;
	p2 =	seq.s32 @!p0 s5, $0x0  }
0x1f: {  	s9 =	smul.u32 $0xF7A, s1;
	s8 =	simm.s32 @!p0 $0x1BF5;
	p2 =	por !p2, p0  }
0x20: {  	[sflag:s8] =	ssyncset.s32 @!p0 $0xFFFFF086;
	s6 =	sadd.s32 @!p0 s3, s7;
	s7 =	simm.s32 @!p0 $0x108  }
0x21: {  	s3 =	sadd.s32 s3, s9;
	s6 =	sadd.s32 @!p0 $0x88, s6;
	s7 =	simm.s32 @p2 $0x1082  }
0x22: {  	[simem:s7], [sflag:s8] =	dma.local @!p0 [hbm:s6], $0xF7A  }
0x23: {  	s9 =	sor.u32 $0xD0000000, s2;
	s6 =	simm.s32 $0x108;
	_ =	swait.ge @!p0 [sflag:s8], $0x0  }
0x24: {  	s3 =	sadd.s32 $0x88, s3;
	s6 =	simm.s32 @!p1 $0x1082;
	[sflag:s4] =	ssyncset.s32 $0xFFFFF086  }
0x25: {  	[simem:s6], [sflag:s4] =	dma.local [hbm:s3], $0xF7A  }
0x26: {  	[smem:$0x3F9F] =	sst s1;
	(tag) =	ssettag s2;
	_ =	strace s9  }
0x27: {  	s1 =	sld [smem:$0x3FAF]  }
0x28: {  	s2 =	sld [smem:$0x3FB0]  }
0x29: {  	s4 =	sld [smem:$0x3FB2]  }
0x2a: {  	p0 =	seq.s32 s5, $0x0;
	s5 =	sld [smem:$0x3FB3]  }
0x2b: {  	s6 =	sld [smem:$0x3FB4]  }
0x2c: {  	s7 =	sld [smem:$0x3FB5]  }
0x2d: {  	s3 =	simm.s32 $0x108;
	s8 =	sld [smem:$0x3FB6]  }
0x2e: {  	s3 =	simm.s32 @!p0 $0x1082;
	s9 =	sld [smem:$0x3FB7]  }
0x2f: {  	lr =	sadd.s32 s0, s3;
	s0 =	sld [smem:$0x3FAE]  }
0x30: {  	s3 =	sld [smem:$0x3FB1]  }
0x31: {  	[smem:$0x3FBA] =	sst s10  }
0x32: {  	s10 =	sld [smem:$0x3FB8];
	_ =	sdelay $0x3  }
0x33: {  	p0 =	seq.s32 s10, $0x1;
	s10 =	sld [smem:$0x3FBA];
	_ =	sdelay $0x3  }
0x34: {  	[smem:$0x3FBA] =	sst s10  }
0x35: {  	s10 =	sld [smem:$0x3FB9];
	_ =	sdelay $0x3  }
0x36: {  	p1 =	seq.s32 s10, $0x1;
	s10 =	sld [smem:$0x3FBA];
	_ =	sdelay $0x3  }
0x37: {  	[smem:$0x3FBA] =	sst s10  }
0x38: {  	s10 =	sld [smem:$0x3FBB]  }
0x39: {  	_ = 	snop;
	(pc) =	sbr.ind lr, $3  }
0x3a: {  	_ = 	snop  }
0x3b: {  	_ = 	snop  }
0x3c: {  	p2 =	seq.s32 s10, $0x1;
	s10 =	sld [smem:$0x3FBA]  }
0x3d: {  	_ =	shalt  }
0x3e: {  	_ =	shalt  }
0x3f: {  	_ =	shalt  }
0x40: {  	_ =	shalt  }
0x41: {  	_ =	shalt  }
0x42: {  	_ =	shalt  }
0x43: {  	_ =	shalt  }
0x44: {  	_ =	shalt  }
0x45: {  	_ =	shalt  }
0x46: {  	_ =	shalt  }
0x47: {  	_ =	shalt  }
0x48: {  	_ =	shalt  }
0x49: {  	_ =	shalt  }
0x4a: {  	_ =	shalt  }
0x4b: {  	_ =	shalt  }
0x4c: {  	_ =	shalt  }
0x4d: {  	_ =	shalt  }
0x4e: {  	_ =	shalt  }
0x4f: {  	_ =	shalt  }
0x50: {  	_ =	shalt  }
0x51: {  	_ =	shalt  }
0x52: {  	_ =	shalt  }
0x53: {  	_ =	shalt  }
0x54: {  	_ =	shalt  }
0x55: {  	_ =	shalt  }
0x56: {  	_ =	shalt  }
0x57: {  	_ =	shalt  }
0x58: {  	_ =	shalt  }
0x59: {  	_ =	shalt  }
0x5a: {  	_ =	shalt  }
0x5b: {  	_ =	shalt  }
0x5c: {  	_ =	shalt  }
0x5d: {  	_ =	shalt  }
0x5e: {  	_ =	shalt  }
0x5f: {  	_ =	shalt  }
0x60: {  	_ =	shalt  }
0x61: {  	_ =	shalt  }
0x62: {  	_ =	shalt  }
0x63: {  	_ =	shalt  }
0x64: {  	_ =	shalt  }
0x65: {  	_ =	shalt  }
0x66: {  	_ =	shalt  }
0x67: {  	_ =	shalt  }
0x68: {  	_ =	shalt  }
0x69: {  	_ =	shalt  }
0x6a: {  	_ =	shalt  }
0x6b: {  	_ =	shalt  }
0x6c: {  	_ =	shalt  }
0x6d: {  	_ =	shalt  }
0x6e: {  	_ =	shalt  }
0x6f: {  	_ =	shalt  }
0x70: {  	_ =	shalt  }
0x71: {  	_ =	shalt  }
0x72: {  	_ =	shalt  }
0x73: {  	_ =	shalt  }
0x74: {  	_ =	shalt  }
0x75: {  	_ =	shalt  }
0x76: {  	_ =	shalt  }
0x77: {  	_ =	shalt  }
0x78: {  	_ =	shalt  }
0x79: {  	_ =	shalt  }
0x7a: {  	_ =	shalt  }
0x7b: {  	_ =	shalt  }
0x7c: {  	_ =	shalt  }
0x7d: {  	_ =	shalt  }
0x7e: {  	_ =	shalt  }
0x7f: {  	_ =	shalt  }
0x80: {  	_ =	shalt  }
0x81: {  	_ =	shalt  }
0x82: {  	_ =	shalt  }
0x83: {  	_ =	shalt  }
0x84: {  	_ =	shalt  }
0x85: {  	_ =	shalt  }
0x86: {  	_ =	shalt  }
0x87: {  	_ =	shalt  }
.Lfunc_end0:
.L_simem_size_0:
called_computation_lowered:
.L_overlay_start_0:
0x88: {  	s2 =	sld [smem:$0x3FD9]  }
0x89: {  	s3 =	sld [smem:$0x3FFE];
	_ =	sdelay $0x1  }
0x8a: {  	s1 =	srdreg.scid  }
0x8b: {  	s0 =	sand.u32 $0x1, s1  }
0x8c: {  	s18 =	sshll.u32 s0, $0xA;
	s2 =	sadd.s32 s3, s2  }
0x8d: {  	s2 =	sadd.s32 s2, s18  }
0x8e: {  	[smem:$0x3FC6] =	sst s2  }
0x8f: {  	_ = 	snop  }
0x90: {  	s2 =	sld [smem:$0x3FC9]  }
0x91: {  	s19 =	sld [smem:$0x3FC8]  }
0x92: {  	s4 =	sld [smem:$0x3FD0];
	(tm) =	ssettm $0x1  }
0x93: {  	s5 =	sld [smem:$0x3FFB];
	_ =	sdelay $0x3  }
0x94: {  	_ =	strace s5  }
0x95: {  	s5 =	sld [smem:$0x3FFC];
	_ =	sdelay $0x3  }
0x96: {  	_ =	strace s5  }
0x97: {  	s5 =	sld [smem:$0x3FFD];
	_ =	sdelay $0x3  }
0x98: {  	_ =	strace s5  }
0x99: {  	_ =	strace $0x8FFFFFFF  }
0x9a: {  	s20 =	sld [smem:$0x3FDB];
	_ =	sdelay $0x1  }
0x9b: {  	s6 =	simm.s32 $_scs_section_size  }
0x9c: {  	s7 =	simm.s32 $_size__tile_overlayer_lowered;
	s8 =	simm.s32 $_tile_overlayer_lowered  }
0x9d: {  	s23 =	simm.s32 $0x1BFF;
	s22 =	sshll.u32 s8, $0x1;
	s5 =	sadd.s32 s6, s20  }
0x9e: {  	s9 =	simm.s32 $0x0;
	s21 =	sshll.u32 s7, $0x1;
	s7 =	sadd.s32 s22, s5  }
0x9f: {  	[timem:s9], [sflag:s23] =	dma.local [hbm:s7], s21  }
0xa0: {  	_ =	swait.ge [sflag:s23], s21  }
0xa1: {  	s6 =	ssub.s32 $0x0, s21;
	[sflag:s23] =	ssyncset.done $0x0  }
0xa2: {  	[sflag:s23] =	ssyncadd.s32 s6;
	_ =	sdelay $0x1  }
0xa3: {  	s24 =	simm.s32 $0x1B8B  }
0xa4: {  	_ =	swait.ge [sflag:s24], $0x1  }
0xa5: {  	[sflag:s24] =	ssyncset.done $0x0  }
0xa6: {  	s25 =	simm.s32 $0x1B8E;
	[sflag:s24] =	ssyncadd.s32 $0xFFFFFFFF  }
0xa7: {  	s26 =	simm.s32 $execute0_lowered;
	[smem:$0x3FD2] =	sst s25  }
0xa8: {  	s6 =	sshll.u32 s26, $0x1;
	_ =	strace $0x80000046;
	[dreg:$0x1] =	wrdreg $0xFFFFFFFF  }
0xa9: {  	s28 =	simm.s32 $_size_execute0_lowered;
	s5 =	sadd.s32 s5, s6;
	[dreg:$0x0] =	wrdreg $0x0  }
0xaa: {  	s6 =	sshll.u32 s28, $0x1;
	[dreg:$0x2] =	wrdreg s5  }
0xab: {  	[dreg:$0x3] =	wrdreg s6  }
0xac: {  	[dreg:$0x4] =	wrdreg $0xC0  }
0xad: {  	_ =	task [dreg:s9], $0x5FFFF  }
0xae: {  	[dreg:$0x1] =	wrdreg $0xFFFFFFFF  }
0xaf: {  	[dreg:$0x0] =	wrdreg $0x60  }
0xb0: {  	[dreg:$0x2] =	wrdreg s2  }
0xb1: {  	[dreg:$0x3] =	wrdreg s19  }
0xb2: {  	[dreg:$0x4] =	wrdreg s4  }
0xb3: {  	[dreg:$0x5] =	wrdreg $0x9  }
0xb4: {  	_ =	task.clear_ibuf [dreg:s9], $0x6FFFF;
	_ =	strace $0x90000046  }
0xb5: {  	s29 =	simm.s32 $0x9;
	_ =	strace $0x80000048  }
0xb6: {  	_ =	swait.ge [sflag:s29], $0x1  }
0xb7: {  	[sflag:s29] =	ssyncadd.s32 $0xFFFFFFFF  }
0xb8: {  	_ =	strace $0x90000048  }
0xb9: {  	_ =	sfence  }
0xba: {  	s30 =	sld [smem:$0x0];
	_ =	sdelay $0x2  }
0xbb: {  	s31 =	sshll.u32 s1, $0xD;
	s1 =	sshrl.u32 s1, $0x2  }
0xbc: {  	s3 =	sand.u32 $0x4000, s31;
	s1 =	sadd.s32 s1, s30  }
0xbd: {  	s0 =	sor.u32 s3, s0;
	s1 =	sshll.u32 s1, $0x11  }
0xbe: {  	s0 =	sor.u32 s1, s0  }
0xbf: {  	s0 =	sadd.s32 $0x8F2B, s0  }
0xc0: {  	[sflag:s0] =	ssyncadd.remote.s32 $0x1  }
0xc1: {  	_ =	sfence.sel $0xFFFF  }
0xc2: {  	[dreg:$0x0] =	wrdreg $0xFFFFFFFF;
	(pc) =	sbr.abs _section_cstart, $3  }
0xc3: {  	[dreg:$0x1] =	wrdreg $0xFFFFFFFF  }
0xc4: {  	_ =	task.clear_ibuf [dreg:s9], $0x2FFFF;
	_ =	strace $0x9FFFFFFF  }
0xc5: {  	(tm) =	ssettm $0x7FFFFFFF  }
tec
execute0_lowered:
.L_overlay_start_1:
0x0: {  	(tag) =	ssettag $0x1  }
0x1: {  	s1 =	rddreg [dreg:$0x0]  }
0x2: {  	s0 =	srdreg.scid;
	s3 =	rddreg [dreg:$0x1]  }
0x3: {  	s2 =	stileid.u32;
	s5 =	rddreg [dreg:$0x2]  }
0x4: {  	s31 =	simm.s32 $0x9;
	s25 =	simm.s32 $0x40;
	s26 =	simm.s32 $0x60  }
0x5: {  	s30 =	simm.s32 $0x80;
	s29 =	simm.s32 $0xA0;
	s0 =	sand.u32 $0x1, s0  }
0x6: {  	s28 =	simm.s32 $0xC0;
	s2 =	sshll.u32 s2, $0xA;
	s4 =	sshll.u32 s0, $0x9  }
0x7: {  	p0 =	por $0x0, $0x0;
	s0 =	ssub.s32 $0x2, s0;
	s4 =	sor.u32 s4, s2  }
0x8: {  	s2 =	simm.s32 $0x0;
	s21 =	sshrl.u32 s0, $0x1;
	s6 =	smul.u32 $0x60, s4  }
0x9: {  	[smem:$0x7FF] =	sst s2;
	s7 =	sshrl.u32 s4, $0x3;
	s4 =	smul.u32 $0x300, s4  }
0xa: {  	s0 =	ssub.s32 s0, s21;
	_ =	strace $0x80000047;
	[dreg:$0x14] =	wrdreg s25  }
0xb: {  	s1 =	sadd.s32 s1, s7;
	s0 =	smax.u32 s0, $0x1;
	[dreg:$0x15] =	wrdreg s26  }
0xc: {  	s22 =	sadd.s32 s5, s6;
	[dreg:$0x4] =	wrdreg s1;
	p1 =	sne.s32 s0, $0x1  }
0xd: {  	s1 =	sadd.s32 $0xFFFFFFFF, s0;
	s8 =	sadd.s32 $0xC00, s22;
	s0 =	rddreg [dreg:$0x4]  }
0xe: {  	s21 =	simm.s32 $0x160;
	s9 =	sadd.s32 $0x1800, s22;
	[dreg:$0x5] =	wrdreg s8  }
0xf: {  	s7 =	simm.s32 $0x8;
	s10 =	sadd.s32 $0x2400, s22;
	[dreg:$0x6] =	wrdreg s9  }
0x10: {  	s4 =	sshrl.u32 s4, $0x3;
	s11 =	sadd.s32 $0x3000, s22;
	[dreg:$0x7] =	wrdreg s10  }
0x11: {  	s12 =	sadd.s32 $0x3C00, s22;
	s4 =	sadd.s32 s5, s4;
	[dreg:$0x8] =	wrdreg s11  }
0x12: {  	s26 =	simm.s32 $0xE0;
	[dreg:$0x9] =	wrdreg s12;
	s13 =	sadd.s32 $0x4800, s4  }
0x13: {  	s25 =	simm.s32 $0x100;
	s14 =	sadd.s32 $0x5400, s4;
	[dreg:$0xa] =	wrdreg s13  }
0x14: {  	s6 =	simm.s32 $0x6200;
	s15 =	sadd.s32 $0x6000, s4;
	[dreg:$0xb] =	wrdreg s14  }
0x15: {  	s5 =	simm.s32 $0xC200;
	s16 =	sadd.s32 $0x6C00, s4;
	[dreg:$0xc] =	wrdreg s15  }
0x16: {  	s17 =	sadd.s32 $0x7800, s4;
	s18 =	sadd.s32 $0x8400, s4;
	[dreg:$0xd] =	wrdreg s16  }
0x17: {  	s19 =	sadd.s32 $0x9000, s4;
	s20 =	sadd.s32 $0x9C00, s4;
	[dreg:$0xe] =	wrdreg s17  }
0x18: {  	s23 =	sadd.s32 $0xA800, s4;
	s24 =	sadd.s32 $0xB400, s4;
	[dreg:$0xf] =	wrdreg s18  }
0x19: {  	s9 =	simm.s32 $0x20;
	s12 =	simm.s32 $0x200;
	[dreg:$0x10] =	wrdreg s19  }
0x1a: {  	s4 =	simm.s32 $0x12200;
	s11 =	simm.s32 $0x3;
	[dreg:$0x11] =	wrdreg s20  }
.Ltmp0:
0x1b: {  	s10 =	simm.s32 $0x4;
	[dreg:$0x12] =	wrdreg s23;
	(pc) =	sbr.rel @!p1 .LBB2_3-.Ltmp0, $4  }
0x1c: {  	s8 =	simm.s32 $0x7;
	[dreg:$0x13] =	wrdreg s24;
	s14 =	simm.s32 $0x1  }
0x1d: {  	s13 =	simm.s32 $0x2;
	s17 =	simm.s32 $0x5;
	s16 =	simm.s32 $0x6  }
0x1e: {  	s24 =	simm.s32 $0x120;
	s23 =	simm.s32 $0x140;
	s20 =	simm.s32 $0x180  }
0x1f: {  	s19 =	simm.s32 $0x1A0;
	s18 =	simm.s32 $0x1C0;
	s15 =	simm.s32 $0x1E0  }
0x20: {  	[tilespmem:s2], [sflag:$0x9] =	stream.linear.gather [hbm4b:s0+s2], $0x200, $0x38;
	[tilespmem:$0x18200] =	vst v63  }
0x21: {  	_ =	swait.ge [sflag:s31], $0x200  }
0x22: {  	[sflag:s31] =	ssyncset.done $0x0  }
0x23: {  	[sflag:s31] =	ssyncadd.s32 $0xFFFFFE00  }
0x24: {  	[tilespmem:s12], [sflag:$0x1] =	stream.indirect.gather [hbm4b:s3+s9], $0x300, s2, s9, $0xb8;
	[tilespmem:$0x18200] =	vst v63  }
0x25: {  	_ = 	snop  }
0x26: {  	[tilespmem:s6], [sflag:$0x2] =	stream.indirect.gather [hbm4b:s3+s9], $0x300, s9, s9, $0xb8;
	[tilespmem:$0x18200] =	vst v63  }
0x27: {  	s0 =	rddreg [dreg:$0x14]  }
0x28: {  	[tilespmem:s5], [sflag:$0x3] =	stream.indirect.gather [hbm4b:s3+s9], $0x300, s0, s9, $0xb8;
	[tilespmem:$0x18200] =	vst v63  }
0x29: {  	_ =	swait.ge [sflag:s14], $0x6000  }
0x2a: {  	[sflag:s14] =	ssyncset.done $0x0  }
0x2b: {  	[sflag:s14] =	ssyncadd.s32 $0xFFFFA000  }
0x2c: {  	[hbm4b:s22+s2] =	stream.linear.scatter [tilespmem:s12], [sflag:$0x5], $0x6000, $0x38;
	[tilespmem:$0x18200] =	vst v63  }
0x2d: {  	s0 =	rddreg [dreg:$0x15]  }
0x2e: {  	[tilespmem:s4], [sflag:$0x4] =	stream.indirect.gather [hbm4b:s3+s9], $0x300, s0, s9, $0xb8;
	[tilespmem:$0x18200] =	vst v63  }
0x2f: {  	_ =	swait.ge [sflag:s13], $0x6000  }
0x30: {  	[sflag:s13] =	ssyncset.done $0x0  }
0x31: {  	s0 =	rddreg [dreg:$0x5];
	[sflag:s13] =	ssyncadd.s32 $0xFFFFA000  }
0x32: {  	[hbm4b:s0+s2] =	stream.linear.scatter [tilespmem:s6], [sflag:$0x6], $0x6000, $0x38;
	[tilespmem:$0x18200] =	vst v63  }
0x33: {  	_ =	swait.ge [sflag:s17], $0x6000  }
0x34: {  	[sflag:s17] =	ssyncset.done $0x0  }
0x35: {  	[sflag:s17] =	ssyncadd.s32 $0xFFFFA000  }
0x36: {  	[tilespmem:s12], [sflag:$0x1] =	stream.indirect.gather [hbm4b:s3+s9], $0x300, s30, s9, $0xb8;
	[tilespmem:$0x18200] =	vst v63  }
0x37: {  	_ =	swait.ge [sflag:s11], $0x6000  }
0x38: {  	[sflag:s11] =	ssyncset.done $0x0  }
0x39: {  	s0 =	rddreg [dreg:$0x6];
	[sflag:s11] =	ssyncadd.s32 $0xFFFFA000  }
0x3a: {  	[hbm4b:s0+s2] =	stream.linear.scatter [tilespmem:s5], [sflag:$0x7], $0x6000, $0x38;
	[tilespmem:$0x18200] =	vst v63  }
0x3b: {  	_ =	swait.ge [sflag:s16], $0x6000  }
0x3c: {  	[sflag:s16] =	ssyncset.done $0x0  }
0x3d: {  	[sflag:s16] =	ssyncadd.s32 $0xFFFFA000  }
0x3e: {  	[tilespmem:s6], [sflag:$0x2] =	stream.indirect.gather [hbm4b:s3+s9], $0x300, s29, s9, $0xb8;
	[tilespmem:$0x18200] =	vst v63  }
0x3f: {  	_ =	swait.ge [sflag:s10], $0x6000  }
0x40: {  	[sflag:s10] =	ssyncset.done $0x0  }
0x41: {  	s0 =	rddreg [dreg:$0x7];
	[sflag:s10] =	ssyncadd.s32 $0xFFFFA000  }
0x42: {  	[hbm4b:s0+s2] =	stream.linear.scatter [tilespmem:s4], [sflag:$0x8], $0x6000, $0x38;
	[tilespmem:$0x18200] =	vst v63  }
0x43: {  	_ =	swait.ge [sflag:s8], $0x6000  }
0x44: {  	[sflag:s8] =	ssyncset.done $0x0  }
0x45: {  	[sflag:s8] =	ssyncadd.s32 $0xFFFFA000  }
0x46: {  	[tilespmem:s5], [sflag:$0x3] =	stream.indirect.gather [hbm4b:s3+s9], $0x300, s28, s9, $0xb8;
	[tilespmem:$0x18200] =	vst v63  }
0x47: {  	_ =	swait.ge [sflag:s14], $0x6000  }
0x48: {  	[sflag:s14] =	ssyncset.done $0x0  }
0x49: {  	s0 =	rddreg [dreg:$0x8];
	[sflag:s14] =	ssyncadd.s32 $0xFFFFA000  }
0x4a: {  	[hbm4b:s0+s2] =	stream.linear.scatter [tilespmem:s12], [sflag:$0x5], $0x6000, $0x38;
	[tilespmem:$0x18200] =	vst v63  }
0x4b: {  	_ =	swait.ge [sflag:s7], $0x6000  }
0x4c: {  	[sflag:s7] =	ssyncset.done $0x0  }
0x4d: {  	[sflag:s7] =	ssyncadd.s32 $0xFFFFA000  }
0x4e: {  	[tilespmem:s4], [sflag:$0x4] =	stream.indirect.gather [hbm4b:s3+s9], $0x300, s26, s9, $0xb8;
	[tilespmem:$0x18200] =	vst v63  }
0x4f: {  	_ =	swait.ge [sflag:s13], $0x6000  }
0x50: {  	[sflag:s13] =	ssyncset.done $0x0  }
0x51: {  	s0 =	rddreg [dreg:$0x9];
	[sflag:s13] =	ssyncadd.s32 $0xFFFFA000  }
0x52: {  	[hbm4b:s0+s2] =	stream.linear.scatter [tilespmem:s6], [sflag:$0x6], $0x6000, $0x38;
	[tilespmem:$0x18200] =	vst v63  }
0x53: {  	_ =	swait.ge [sflag:s17], $0x6000  }
0x54: {  	[sflag:s17] =	ssyncset.done $0x0  }
0x55: {  	[sflag:s17] =	ssyncadd.s32 $0xFFFFA000  }
0x56: {  	[tilespmem:s12], [sflag:$0x1] =	stream.indirect.gather [hbm4b:s3+s9], $0x300, s25, s9, $0xb8;
	[tilespmem:$0x18200] =	vst v63  }
0x57: {  	_ =	swait.ge [sflag:s11], $0x6000  }
0x58: {  	[sflag:s11] =	ssyncset.done $0x0  }
0x59: {  	s0 =	rddreg [dreg:$0xa];
	[sflag:s11] =	ssyncadd.s32 $0xFFFFA000  }
0x5a: {  	[hbm4b:s0+s2] =	stream.linear.scatter [tilespmem:s5], [sflag:$0x7], $0x6000, $0x38;
	[tilespmem:$0x18200] =	vst v63  }
0x5b: {  	_ =	swait.ge [sflag:s16], $0x6000  }
0x5c: {  	[sflag:s16] =	ssyncset.done $0x0  }
0x5d: {  	[sflag:s16] =	ssyncadd.s32 $0xFFFFA000  }
0x5e: {  	[tilespmem:s6], [sflag:$0x2] =	stream.indirect.gather [hbm4b:s3+s9], $0x300, s24, s9, $0xb8;
	[tilespmem:$0x18200] =	vst v63  }
0x5f: {  	_ =	swait.ge [sflag:s10], $0x6000  }
0x60: {  	[sflag:s10] =	ssyncset.done $0x0  }
0x61: {  	s0 =	rddreg [dreg:$0xb];
	[sflag:s10] =	ssyncadd.s32 $0xFFFFA000  }
0x62: {  	[hbm4b:s0+s2] =	stream.linear.scatter [tilespmem:s4], [sflag:$0x8], $0x6000, $0x38;
	[tilespmem:$0x18200] =	vst v63  }
0x63: {  	_ =	swait.ge [sflag:s8], $0x6000  }
0x64: {  	[sflag:s8] =	ssyncset.done $0x0  }
0x65: {  	[sflag:s8] =	ssyncadd.s32 $0xFFFFA000  }
0x66: {  	[tilespmem:s5], [sflag:$0x3] =	stream.indirect.gather [hbm4b:s3+s9], $0x300, s23, s9, $0xb8;
	[tilespmem:$0x18200] =	vst v63  }
0x67: {  	_ =	swait.ge [sflag:s14], $0x6000  }
0x68: {  	[sflag:s14] =	ssyncset.done $0x0  }
0x69: {  	s0 =	rddreg [dreg:$0xc];
	[sflag:s14] =	ssyncadd.s32 $0xFFFFA000  }
0x6a: {  	[hbm4b:s0+s2] =	stream.linear.scatter [tilespmem:s12], [sflag:$0x5], $0x6000, $0x38;
	[tilespmem:$0x18200] =	vst v63  }
0x6b: {  	_ =	swait.ge [sflag:s7], $0x6000  }
0x6c: {  	[sflag:s7] =	ssyncset.done $0x0  }
0x6d: {  	[sflag:s7] =	ssyncadd.s32 $0xFFFFA000  }
0x6e: {  	[tilespmem:s4], [sflag:$0x4] =	stream.indirect.gather [hbm4b:s3+s9], $0x300, s21, s9, $0xb8;
	[tilespmem:$0x18200] =	vst v63  }
0x6f: {  	_ =	swait.ge [sflag:s13], $0x6000  }
0x70: {  	[sflag:s13] =	ssyncset.done $0x0  }
0x71: {  	s0 =	rddreg [dreg:$0xd];
	[sflag:s13] =	ssyncadd.s32 $0xFFFFA000  }
0x72: {  	[hbm4b:s0+s2] =	stream.linear.scatter [tilespmem:s6], [sflag:$0x6], $0x6000, $0x38;
	[tilespmem:$0x18200] =	vst v63  }
0x73: {  	_ =	swait.ge [sflag:s17], $0x6000  }
0x74: {  	[sflag:s17] =	ssyncset.done $0x0  }
0x75: {  	[sflag:s17] =	ssyncadd.s32 $0xFFFFA000  }
0x76: {  	[tilespmem:s12], [sflag:$0x1] =	stream.indirect.gather [hbm4b:s3+s9], $0x300, s20, s9, $0xb8;
	[tilespmem:$0x18200] =	vst v63  }
0x77: {  	_ =	swait.ge [sflag:s11], $0x6000  }
0x78: {  	[sflag:s11] =	ssyncset.done $0x0  }
0x79: {  	s0 =	rddreg [dreg:$0xe];
	[sflag:s11] =	ssyncadd.s32 $0xFFFFA000  }
0x7a: {  	[hbm4b:s0+s2] =	stream.linear.scatter [tilespmem:s5], [sflag:$0x7], $0x6000, $0x38;
	[tilespmem:$0x18200] =	vst v63  }
0x7b: {  	_ =	swait.ge [sflag:s16], $0x6000  }
0x7c: {  	[sflag:s16] =	ssyncset.done $0x0  }
0x7d: {  	[sflag:s16] =	ssyncadd.s32 $0xFFFFA000  }
0x7e: {  	[tilespmem:s6], [sflag:$0x2] =	stream.indirect.gather [hbm4b:s3+s9], $0x300, s19, s9, $0xb8;
	[tilespmem:$0x18200] =	vst v63  }
0x7f: {  	_ =	swait.ge [sflag:s10], $0x6000  }
0x80: {  	[sflag:s10] =	ssyncset.done $0x0  }
0x81: {  	s0 =	rddreg [dreg:$0xf];
	[sflag:s10] =	ssyncadd.s32 $0xFFFFA000  }
0x82: {  	[hbm4b:s0+s2] =	stream.linear.scatter [tilespmem:s4], [sflag:$0x8], $0x6000, $0x38;
	[tilespmem:$0x18200] =	vst v63  }
0x83: {  	_ =	swait.ge [sflag:s8], $0x6000  }
0x84: {  	[sflag:s8] =	ssyncset.done $0x0  }
0x85: {  	[sflag:s8] =	ssyncadd.s32 $0xFFFFA000  }
0x86: {  	[tilespmem:s5], [sflag:$0x3] =	stream.indirect.gather [hbm4b:s3+s9], $0x300, s18, s9, $0xb8;
	[tilespmem:$0x18200] =	vst v63  }
0x87: {  	_ =	swait.ge [sflag:s14], $0x6000  }
0x88: {  	[sflag:s14] =	ssyncset.done $0x0  }
0x89: {  	s0 =	rddreg [dreg:$0x10];
	[sflag:s14] =	ssyncadd.s32 $0xFFFFA000  }
0x8a: {  	[hbm4b:s0+s2] =	stream.linear.scatter [tilespmem:s12], [sflag:$0x5], $0x6000, $0x38;
	[tilespmem:$0x18200] =	vst v63  }
0x8b: {  	_ =	swait.ge [sflag:s7], $0x6000  }
0x8c: {  	[sflag:s7] =	ssyncset.done $0x0  }
0x8d: {  	[sflag:s7] =	ssyncadd.s32 $0xFFFFA000  }
0x8e: {  	[tilespmem:s4], [sflag:$0x4] =	stream.indirect.gather [hbm4b:s3+s9], $0x300, s15, s9, $0xb8;
	[tilespmem:$0x18200] =	vst v63  }
0x8f: {  	_ =	swait.ge [sflag:s13], $0x6000  }
0x90: {  	[sflag:s13] =	ssyncset.done $0x0  }
0x91: {  	s0 =	rddreg [dreg:$0x11];
	[sflag:s13] =	ssyncadd.s32 $0xFFFFA000  }
0x92: {  	[hbm4b:s0+s2] =	stream.linear.scatter [tilespmem:s6], [sflag:$0x6], $0x6000, $0x38;
	[tilespmem:$0x18200] =	vst v63  }
0x93: {  	_ =	swait.ge [sflag:s11], $0x6000  }
0x94: {  	[sflag:s11] =	ssyncset.done $0x0  }
0x95: {  	s0 =	rddreg [dreg:$0x12];
	[sflag:s11] =	ssyncadd.s32 $0xFFFFA000  }
0x96: {  	[hbm4b:s0+s2] =	stream.linear.scatter [tilespmem:s5], [sflag:$0x7], $0x6000, $0x38;
	[tilespmem:$0x18200] =	vst v63  }
0x97: {  	_ =	swait.ge [sflag:s10], $0x6000  }
0x98: {  	[sflag:s10] =	ssyncset.done $0x0  }
0x99: {  	p1 =	sne.s32 s1, $0x1;
	s0 =	rddreg [dreg:$0x13];
	[sflag:s10] =	ssyncadd.s32 $0xFFFFA000  }
0x9a: {  	[hbm4b:s0+s2] =	stream.linear.scatter [tilespmem:s4], [sflag:$0x8], $0x6000, $0x38;
	[tilespmem:$0x18200] =	vst v63  }
.Ltmp1:
0x9b: {  	_ =	swait.ge [sflag:s8], $0x6000;
	(pc) =	sbr.rel @!p1 .LBB2_3-.Ltmp1, $4  }
0x9c: {  	[sflag:s8] =	ssyncset.done $0x0  }
0x9d: {  	[sflag:s8] =	ssyncadd.s32 $0xFFFFA000  }
0x9e: {  	s1 =	sadd.s32 $0xFFFFFFFF, s1;
	_ =	swait.ge [sflag:s7], $0x6000  }
0x9f: {  	p0 =	por $0x1, $0x1;
	s0 =	rddreg [dreg:$0x4];
	[sflag:s7] =	ssyncset.done $0x0  }
.LBB2_2:
0xa0: {  	[sflag:s7] =	ssyncadd.s32 $0xFFFFA000  }
0xa1: {  	[tilespmem:s2], [sflag:$0x9] =	stream.linear.gather [hbm4b:s0+s2], $0x200, $0x38;
	[tilespmem:$0x18200] =	vst v63  }
0xa2: {  	_ =	swait.ge [sflag:s31], $0x200  }
0xa3: {  	[sflag:s31] =	ssyncset.done $0x0  }
0xa4: {  	[sflag:s31] =	ssyncadd.s32 $0xFFFFFE00  }
0xa5: {  	[tilespmem:s12], [sflag:$0x1] =	stream.indirect.gather [hbm4b:s3+s9], $0x300, s2, s9, $0xb8;
	[tilespmem:$0x18200] =	vst v63  }
0xa6: {  	_ = 	snop  }
0xa7: {  	[tilespmem:s6], [sflag:$0x2] =	stream.indirect.gather [hbm4b:s3+s9], $0x300, s9, s9, $0xb8;
	[tilespmem:$0x18200] =	vst v63  }
0xa8: {  	s0 =	rddreg [dreg:$0x14]  }
0xa9: {  	[tilespmem:s5], [sflag:$0x3] =	stream.indirect.gather [hbm4b:s3+s9], $0x300, s0, s9, $0xb8;
	[tilespmem:$0x18200] =	vst v63  }
0xaa: {  	_ =	swait.ge [sflag:s14], $0x6000  }
0xab: {  	[sflag:s14] =	ssyncset.done $0x0  }
0xac: {  	[sflag:s14] =	ssyncadd.s32 $0xFFFFA000  }
0xad: {  	[hbm4b:s22+s2] =	stream.linear.scatter [tilespmem:s12], [sflag:$0x5], $0x6000, $0x38;
	[tilespmem:$0x18200] =	vst v63  }
0xae: {  	s0 =	rddreg [dreg:$0x15]  }
0xaf: {  	[tilespmem:s4], [sflag:$0x4] =	stream.indirect.gather [hbm4b:s3+s9], $0x300, s0, s9, $0xb8;
	[tilespmem:$0x18200] =	vst v63  }
0xb0: {  	_ =	swait.ge [sflag:s13], $0x6000  }
0xb1: {  	[sflag:s13] =	ssyncset.done $0x0  }
0xb2: {  	s0 =	rddreg [dreg:$0x5];
	[sflag:s13] =	ssyncadd.s32 $0xFFFFA000  }
0xb3: {  	[hbm4b:s0+s2] =	stream.linear.scatter [tilespmem:s6], [sflag:$0x6], $0x6000, $0x38;
	[tilespmem:$0x18200] =	vst v63  }
0xb4: {  	_ =	swait.ge [sflag:s17], $0x6000  }
0xb5: {  	[sflag:s17] =	ssyncset.done $0x0  }
0xb6: {  	[sflag:s17] =	ssyncadd.s32 $0xFFFFA000  }
0xb7: {  	[tilespmem:s12], [sflag:$0x1] =	stream.indirect.gather [hbm4b:s3+s9], $0x300, s30, s9, $0xb8;
	[tilespmem:$0x18200] =	vst v63  }
0xb8: {  	_ =	swait.ge [sflag:s11], $0x6000  }
0xb9: {  	[sflag:s11] =	ssyncset.done $0x0  }
0xba: {  	s0 =	rddreg [dreg:$0x6];
	[sflag:s11] =	ssyncadd.s32 $0xFFFFA000  }
0xbb: {  	[hbm4b:s0+s2] =	stream.linear.scatter [tilespmem:s5], [sflag:$0x7], $0x6000, $0x38;
	[tilespmem:$0x18200] =	vst v63  }
0xbc: {  	_ =	swait.ge [sflag:s16], $0x6000  }
0xbd: {  	[sflag:s16] =	ssyncset.done $0x0  }
0xbe: {  	[sflag:s16] =	ssyncadd.s32 $0xFFFFA000  }
0xbf: {  	[tilespmem:s6], [sflag:$0x2] =	stream.indirect.gather [hbm4b:s3+s9], $0x300, s29, s9, $0xb8;
	[tilespmem:$0x18200] =	vst v63  }
0xc0: {  	_ =	swait.ge [sflag:s10], $0x6000  }
0xc1: {  	[sflag:s10] =	ssyncset.done $0x0  }
0xc2: {  	s0 =	rddreg [dreg:$0x7];
	[sflag:s10] =	ssyncadd.s32 $0xFFFFA000  }
0xc3: {  	[hbm4b:s0+s2] =	stream.linear.scatter [tilespmem:s4], [sflag:$0x8], $0x6000, $0x38;
	[tilespmem:$0x18200] =	vst v63  }
0xc4: {  	_ =	swait.ge [sflag:s8], $0x6000  }
0xc5: {  	[sflag:s8] =	ssyncset.done $0x0  }
0xc6: {  	[sflag:s8] =	ssyncadd.s32 $0xFFFFA000  }
0xc7: {  	[tilespmem:s5], [sflag:$0x3] =	stream.indirect.gather [hbm4b:s3+s9], $0x300, s28, s9, $0xb8;
	[tilespmem:$0x18200] =	vst v63  }
0xc8: {  	_ =	swait.ge [sflag:s14], $0x6000  }
0xc9: {  	[sflag:s14] =	ssyncset.done $0x0  }
0xca: {  	s0 =	rddreg [dreg:$0x8];
	[sflag:s14] =	ssyncadd.s32 $0xFFFFA000  }
0xcb: {  	[hbm4b:s0+s2] =	stream.linear.scatter [tilespmem:s12], [sflag:$0x5], $0x6000, $0x38;
	[tilespmem:$0x18200] =	vst v63  }
0xcc: {  	_ =	swait.ge [sflag:s7], $0x6000  }
0xcd: {  	[sflag:s7] =	ssyncset.done $0x0  }
0xce: {  	[sflag:s7] =	ssyncadd.s32 $0xFFFFA000  }
0xcf: {  	[tilespmem:s4], [sflag:$0x4] =	stream.indirect.gather [hbm4b:s3+s9], $0x300, s26, s9, $0xb8;
	[tilespmem:$0x18200] =	vst v63  }
0xd0: {  	_ =	swait.ge [sflag:s13], $0x6000  }
0xd1: {  	[sflag:s13] =	ssyncset.done $0x0  }
0xd2: {  	s0 =	rddreg [dreg:$0x9];
	[sflag:s13] =	ssyncadd.s32 $0xFFFFA000  }
0xd3: {  	[hbm4b:s0+s2] =	stream.linear.scatter [tilespmem:s6], [sflag:$0x6], $0x6000, $0x38;
	[tilespmem:$0x18200] =	vst v63  }
0xd4: {  	_ =	swait.ge [sflag:s17], $0x6000  }
0xd5: {  	[sflag:s17] =	ssyncset.done $0x0  }
0xd6: {  	[sflag:s17] =	ssyncadd.s32 $0xFFFFA000  }
0xd7: {  	[tilespmem:s12], [sflag:$0x1] =	stream.indirect.gather [hbm4b:s3+s9], $0x300, s25, s9, $0xb8;
	[tilespmem:$0x18200] =	vst v63  }
0xd8: {  	_ =	swait.ge [sflag:s11], $0x6000  }
0xd9: {  	[sflag:s11] =	ssyncset.done $0x0  }
0xda: {  	s0 =	rddreg [dreg:$0xa];
	[sflag:s11] =	ssyncadd.s32 $0xFFFFA000  }
0xdb: {  	[hbm4b:s0+s2] =	stream.linear.scatter [tilespmem:s5], [sflag:$0x7], $0x6000, $0x38;
	[tilespmem:$0x18200] =	vst v63  }
0xdc: {  	_ =	swait.ge [sflag:s16], $0x6000  }
0xdd: {  	[sflag:s16] =	ssyncset.done $0x0  }
0xde: {  	[sflag:s16] =	ssyncadd.s32 $0xFFFFA000  }
0xdf: {  	[tilespmem:s6], [sflag:$0x2] =	stream.indirect.gather [hbm4b:s3+s9], $0x300, s24, s9, $0xb8;
	[tilespmem:$0x18200] =	vst v63  }
0xe0: {  	_ =	swait.ge [sflag:s10], $0x6000  }
0xe1: {  	[sflag:s10] =	ssyncset.done $0x0  }
0xe2: {  	s0 =	rddreg [dreg:$0xb];
	[sflag:s10] =	ssyncadd.s32 $0xFFFFA000  }
0xe3: {  	[hbm4b:s0+s2] =	stream.linear.scatter [tilespmem:s4], [sflag:$0x8], $0x6000, $0x38;
	[tilespmem:$0x18200] =	vst v63  }
0xe4: {  	_ =	swait.ge [sflag:s8], $0x6000  }
0xe5: {  	[sflag:s8] =	ssyncset.done $0x0  }
0xe6: {  	[sflag:s8] =	ssyncadd.s32 $0xFFFFA000  }
0xe7: {  	[tilespmem:s5], [sflag:$0x3] =	stream.indirect.gather [hbm4b:s3+s9], $0x300, s23, s9, $0xb8;
	[tilespmem:$0x18200] =	vst v63  }
0xe8: {  	_ =	swait.ge [sflag:s14], $0x6000  }
0xe9: {  	[sflag:s14] =	ssyncset.done $0x0  }
0xea: {  	s0 =	rddreg [dreg:$0xc];
	[sflag:s14] =	ssyncadd.s32 $0xFFFFA000  }
0xeb: {  	[hbm4b:s0+s2] =	stream.linear.scatter [tilespmem:s12], [sflag:$0x5], $0x6000, $0x38;
	[tilespmem:$0x18200] =	vst v63  }
0xec: {  	_ =	swait.ge [sflag:s7], $0x6000  }
0xed: {  	[sflag:s7] =	ssyncset.done $0x0  }
0xee: {  	[sflag:s7] =	ssyncadd.s32 $0xFFFFA000  }
0xef: {  	[tilespmem:s4], [sflag:$0x4] =	stream.indirect.gather [hbm4b:s3+s9], $0x300, s21, s9, $0xb8;
	[tilespmem:$0x18200] =	vst v63  }
0xf0: {  	_ =	swait.ge [sflag:s13], $0x6000  }
0xf1: {  	[sflag:s13] =	ssyncset.done $0x0  }
0xf2: {  	s0 =	rddreg [dreg:$0xd];
	[sflag:s13] =	ssyncadd.s32 $0xFFFFA000  }
0xf3: {  	[hbm4b:s0+s2] =	stream.linear.scatter [tilespmem:s6], [sflag:$0x6], $0x6000, $0x38;
	[tilespmem:$0x18200] =	vst v63  }
0xf4: {  	_ =	swait.ge [sflag:s17], $0x6000  }
0xf5: {  	[sflag:s17] =	ssyncset.done $0x0  }
0xf6: {  	[sflag:s17] =	ssyncadd.s32 $0xFFFFA000  }
0xf7: {  	[tilespmem:s12], [sflag:$0x1] =	stream.indirect.gather [hbm4b:s3+s9], $0x300, s20, s9, $0xb8;
	[tilespmem:$0x18200] =	vst v63  }
0xf8: {  	_ =	swait.ge [sflag:s11], $0x6000  }
0xf9: {  	[sflag:s11] =	ssyncset.done $0x0  }
0xfa: {  	s0 =	rddreg [dreg:$0xe];
	[sflag:s11] =	ssyncadd.s32 $0xFFFFA000  }
0xfb: {  	[hbm4b:s0+s2] =	stream.linear.scatter [tilespmem:s5], [sflag:$0x7], $0x6000, $0x38;
	[tilespmem:$0x18200] =	vst v63  }
0xfc: {  	_ =	swait.ge [sflag:s16], $0x6000  }
0xfd: {  	[sflag:s16] =	ssyncset.done $0x0  }
0xfe: {  	[sflag:s16] =	ssyncadd.s32 $0xFFFFA000  }
0xff: {  	[tilespmem:s6], [sflag:$0x2] =	stream.indirect.gather [hbm4b:s3+s9], $0x300, s19, s9, $0xb8;
	[tilespmem:$0x18200] =	vst v63  }
0x100: {  	_ =	swait.ge [sflag:s10], $0x6000  }
0x101: {  	[sflag:s10] =	ssyncset.done $0x0  }
0x102: {  	s0 =	rddreg [dreg:$0xf];
	[sflag:s10] =	ssyncadd.s32 $0xFFFFA000  }
0x103: {  	[hbm4b:s0+s2] =	stream.linear.scatter [tilespmem:s4], [sflag:$0x8], $0x6000, $0x38;
	[tilespmem:$0x18200] =	vst v63  }
0x104: {  	_ =	swait.ge [sflag:s8], $0x6000  }
0x105: {  	[sflag:s8] =	ssyncset.done $0x0  }
0x106: {  	[sflag:s8] =	ssyncadd.s32 $0xFFFFA000  }
0x107: {  	[tilespmem:s5], [sflag:$0x3] =	stream.indirect.gather [hbm4b:s3+s9], $0x300, s18, s9, $0xb8;
	[tilespmem:$0x18200] =	vst v63  }
0x108: {  	_ =	swait.ge [sflag:s14], $0x6000  }
0x109: {  	[sflag:s14] =	ssyncset.done $0x0  }
0x10a: {  	s0 =	rddreg [dreg:$0x10];
	[sflag:s14] =	ssyncadd.s32 $0xFFFFA000  }
0x10b: {  	[hbm4b:s0+s2] =	stream.linear.scatter [tilespmem:s12], [sflag:$0x5], $0x6000, $0x38;
	[tilespmem:$0x18200] =	vst v63  }
0x10c: {  	_ =	swait.ge [sflag:s7], $0x6000  }
0x10d: {  	[sflag:s7] =	ssyncset.done $0x0  }
0x10e: {  	[sflag:s7] =	ssyncadd.s32 $0xFFFFA000  }
0x10f: {  	[tilespmem:s4], [sflag:$0x4] =	stream.indirect.gather [hbm4b:s3+s9], $0x300, s15, s9, $0xb8;
	[tilespmem:$0x18200] =	vst v63  }
0x110: {  	_ =	swait.ge [sflag:s13], $0x6000  }
0x111: {  	[sflag:s13] =	ssyncset.done $0x0  }
0x112: {  	s0 =	rddreg [dreg:$0x11];
	[sflag:s13] =	ssyncadd.s32 $0xFFFFA000  }
0x113: {  	[hbm4b:s0+s2] =	stream.linear.scatter [tilespmem:s6], [sflag:$0x6], $0x6000, $0x38;
	[tilespmem:$0x18200] =	vst v63  }
0x114: {  	_ =	swait.ge [sflag:s11], $0x6000  }
0x115: {  	[sflag:s11] =	ssyncset.done $0x0  }
0x116: {  	s0 =	rddreg [dreg:$0x12];
	[sflag:s11] =	ssyncadd.s32 $0xFFFFA000  }
0x117: {  	[hbm4b:s0+s2] =	stream.linear.scatter [tilespmem:s5], [sflag:$0x7], $0x6000, $0x38;
	[tilespmem:$0x18200] =	vst v63  }
0x118: {  	_ =	swait.ge [sflag:s10], $0x6000  }
0x119: {  	[sflag:s10] =	ssyncset.done $0x0  }
0x11a: {  	p1 =	sne.s32 s1, $0x1;
	s0 =	rddreg [dreg:$0x13];
	[sflag:s10] =	ssyncadd.s32 $0xFFFFA000  }
0x11b: {  	[hbm4b:s0+s2] =	stream.linear.scatter [tilespmem:s4], [sflag:$0x8], $0x6000, $0x38;
	[tilespmem:$0x18200] =	vst v63  }
.Ltmp2:
0x11c: {  	_ =	swait.ge [sflag:s8], $0x6000;
	(pc) =	sbr.rel @p1 .LBB2_2-.Ltmp2, $4  }
0x11d: {  	[sflag:s8] =	ssyncset.done $0x0  }
0x11e: {  	[sflag:s8] =	ssyncadd.s32 $0xFFFFA000  }
0x11f: {  	_ =	swait.ge [sflag:s7], $0x6000  }
0x120: {  	s1 =	sadd.s32 $0xFFFFFFFF, s1;
	s0 =	rddreg [dreg:$0x4];
	[sflag:s7] =	ssyncset.done $0x0  }
.LBB2_3:
0x121: {  	[sflag:s7] =	ssyncadd.s32 @p0 $0xFFFFA000  }
0x122: {  	[tilespmem:s2], [sflag:$0x9] =	stream.linear.gather [hbm4b:s0+s2], $0x200, $0x38;
	[tilespmem:$0x18200] =	vst v63  }
0x123: {  	_ =	swait.ge [sflag:s31], $0x200  }
0x124: {  	[sflag:s31] =	ssyncset.done $0x0  }
0x125: {  	[sflag:s31] =	ssyncadd.s32 $0xFFFFFE00  }
0x126: {  	[tilespmem:s12], [sflag:$0x1] =	stream.indirect.gather [hbm4b:s3+s9], $0x300, s2, s9, $0xb8;
	[tilespmem:$0x18200] =	vst v63  }
0x127: {  	_ = 	snop  }
0x128: {  	[tilespmem:s6], [sflag:$0x2] =	stream.indirect.gather [hbm4b:s3+s9], $0x300, s9, s9, $0xb8;
	[tilespmem:$0x18200] =	vst v63  }
0x129: {  	s31 =	rddreg [dreg:$0x14]  }
0x12a: {  	[tilespmem:s5], [sflag:$0x3] =	stream.indirect.gather [hbm4b:s3+s9], $0x300, s31, s9, $0xb8;
	[tilespmem:$0x18200] =	vst v63  }
0x12b: {  	_ =	swait.ge [sflag:s14], $0x6000  }
0x12c: {  	[sflag:s14] =	ssyncset.done $0x0  }
0x12d: {  	[sflag:s14] =	ssyncadd.s32 $0xFFFFA000  }
0x12e: {  	[hbm4b:s22+s2] =	stream.linear.scatter [tilespmem:s12], [sflag:$0x5], $0x6000, $0x38;
	[tilespmem:$0x18200] =	vst v63  }
0x12f: {  	s1 =	rddreg [dreg:$0x15]  }
0x130: {  	[tilespmem:s4], [sflag:$0x4] =	stream.indirect.gather [hbm4b:s3+s9], $0x300, s1, s9, $0xb8;
	[tilespmem:$0x18200] =	vst v63  }
0x131: {  	_ =	swait.ge [sflag:s13], $0x6000  }
0x132: {  	[sflag:s13] =	ssyncset.done $0x0  }
0x133: {  	s31 =	rddreg [dreg:$0x5];
	[sflag:s13] =	ssyncadd.s32 $0xFFFFA000  }
0x134: {  	[hbm4b:s31+s2] =	stream.linear.scatter [tilespmem:s6], [sflag:$0x6], $0x6000, $0x38;
	[tilespmem:$0x18200] =	vst v63  }
0x135: {  	_ =	swait.ge [sflag:s17], $0x6000  }
0x136: {  	[sflag:s17] =	ssyncset.done $0x0  }
0x137: {  	[sflag:s17] =	ssyncadd.s32 $0xFFFFA000  }
0x138: {  	[tilespmem:s12], [sflag:$0x1] =	stream.indirect.gather [hbm4b:s3+s9], $0x300, s30, s9, $0xb8;
	[tilespmem:$0x18200] =	vst v63  }
0x139: {  	_ =	swait.ge [sflag:s11], $0x6000  }
0x13a: {  	[sflag:s11] =	ssyncset.done $0x0  }
0x13b: {  	s1 =	rddreg [dreg:$0x6];
	[sflag:s11] =	ssyncadd.s32 $0xFFFFA000  }
0x13c: {  	[hbm4b:s1+s2] =	stream.linear.scatter [tilespmem:s5], [sflag:$0x7], $0x6000, $0x38;
	[tilespmem:$0x18200] =	vst v63  }
0x13d: {  	_ =	swait.ge [sflag:s16], $0x6000  }
0x13e: {  	[sflag:s16] =	ssyncset.done $0x0  }
0x13f: {  	[sflag:s16] =	ssyncadd.s32 $0xFFFFA000  }
0x140: {  	[tilespmem:s6], [sflag:$0x2] =	stream.indirect.gather [hbm4b:s3+s9], $0x300, s29, s9, $0xb8;
	[tilespmem:$0x18200] =	vst v63  }
0x141: {  	_ =	swait.ge [sflag:s10], $0x6000  }
0x142: {  	[sflag:s10] =	ssyncset.done $0x0  }
0x143: {  	s22 =	rddreg [dreg:$0x7];
	[sflag:s10] =	ssyncadd.s32 $0xFFFFA000  }
0x144: {  	[hbm4b:s22+s2] =	stream.linear.scatter [tilespmem:s4], [sflag:$0x8], $0x6000, $0x38;
	[tilespmem:$0x18200] =	vst v63  }
0x145: {  	_ =	swait.ge [sflag:s8], $0x6000  }
0x146: {  	[sflag:s8] =	ssyncset.done $0x0  }
0x147: {  	[sflag:s8] =	ssyncadd.s32 $0xFFFFA000  }
0x148: {  	[tilespmem:s5], [sflag:$0x3] =	stream.indirect.gather [hbm4b:s3+s9], $0x300, s28, s9, $0xb8;
	[tilespmem:$0x18200] =	vst v63  }
0x149: {  	_ =	swait.ge [sflag:s14], $0x6000  }
0x14a: {  	[sflag:s14] =	ssyncset.done $0x0  }
0x14b: {  	s29 =	rddreg [dreg:$0x8];
	[sflag:s14] =	ssyncadd.s32 $0xFFFFA000  }
0x14c: {  	[hbm4b:s29+s2] =	stream.linear.scatter [tilespmem:s12], [sflag:$0x5], $0x6000, $0x38;
	[tilespmem:$0x18200] =	vst v63  }
0x14d: {  	_ =	swait.ge [sflag:s7], $0x6000  }
0x14e: {  	[sflag:s7] =	ssyncset.done $0x0  }
0x14f: {  	[sflag:s7] =	ssyncadd.s32 $0xFFFFA000  }
0x150: {  	[tilespmem:s4], [sflag:$0x4] =	stream.indirect.gather [hbm4b:s3+s9], $0x300, s26, s9, $0xb8;
	[tilespmem:$0x18200] =	vst v63  }
0x151: {  	_ =	swait.ge [sflag:s13], $0x6000  }
0x152: {  	[sflag:s13] =	ssyncset.done $0x0  }
0x153: {  	s30 =	rddreg [dreg:$0x9];
	[sflag:s13] =	ssyncadd.s32 $0xFFFFA000  }
0x154: {  	[hbm4b:s30+s2] =	stream.linear.scatter [tilespmem:s6], [sflag:$0x6], $0x6000, $0x38;
	[tilespmem:$0x18200] =	vst v63  }
0x155: {  	_ =	swait.ge [sflag:s17], $0x6000  }
0x156: {  	[sflag:s17] =	ssyncset.done $0x0  }
0x157: {  	[sflag:s17] =	ssyncadd.s32 $0xFFFFA000  }
0x158: {  	[tilespmem:s12], [sflag:$0x1] =	stream.indirect.gather [hbm4b:s3+s9], $0x300, s25, s9, $0xb8;
	[tilespmem:$0x18200] =	vst v63  }
0x159: {  	_ =	swait.ge [sflag:s11], $0x6000  }
0x15a: {  	[sflag:s11] =	ssyncset.done $0x0  }
0x15b: {  	s31 =	rddreg [dreg:$0xa];
	[sflag:s11] =	ssyncadd.s32 $0xFFFFA000  }
0x15c: {  	[hbm4b:s31+s2] =	stream.linear.scatter [tilespmem:s5], [sflag:$0x7], $0x6000, $0x38;
	[tilespmem:$0x18200] =	vst v63  }
0x15d: {  	_ =	swait.ge [sflag:s16], $0x6000  }
0x15e: {  	[sflag:s16] =	ssyncset.done $0x0  }
0x15f: {  	[sflag:s16] =	ssyncadd.s32 $0xFFFFA000  }
0x160: {  	[tilespmem:s6], [sflag:$0x2] =	stream.indirect.gather [hbm4b:s3+s9], $0x300, s24, s9, $0xb8;
	[tilespmem:$0x18200] =	vst v63  }
0x161: {  	_ =	swait.ge [sflag:s10], $0x6000  }
0x162: {  	[sflag:s10] =	ssyncset.done $0x0  }
0x163: {  	s1 =	rddreg [dreg:$0xb];
	[sflag:s10] =	ssyncadd.s32 $0xFFFFA000  }
0x164: {  	[hbm4b:s1+s2] =	stream.linear.scatter [tilespmem:s4], [sflag:$0x8], $0x6000, $0x38;
	[tilespmem:$0x18200] =	vst v63  }
0x165: {  	_ =	swait.ge [sflag:s8], $0x6000  }
0x166: {  	[sflag:s8] =	ssyncset.done $0x0  }
0x167: {  	[sflag:s8] =	ssyncadd.s32 $0xFFFFA000  }
0x168: {  	[tilespmem:s5], [sflag:$0x3] =	stream.indirect.gather [hbm4b:s3+s9], $0x300, s23, s9, $0xb8;
	[tilespmem:$0x18200] =	vst v63  }
0x169: {  	_ =	swait.ge [sflag:s14], $0x6000  }
0x16a: {  	[sflag:s14] =	ssyncset.done $0x0  }
0x16b: {  	s22 =	rddreg [dreg:$0xc];
	[sflag:s14] =	ssyncadd.s32 $0xFFFFA000  }
0x16c: {  	[hbm4b:s22+s2] =	stream.linear.scatter [tilespmem:s12], [sflag:$0x5], $0x6000, $0x38;
	[tilespmem:$0x18200] =	vst v63  }
0x16d: {  	_ =	swait.ge [sflag:s7], $0x6000  }
0x16e: {  	[sflag:s7] =	ssyncset.done $0x0  }
0x16f: {  	[sflag:s7] =	ssyncadd.s32 $0xFFFFA000  }
0x170: {  	[tilespmem:s4], [sflag:$0x4] =	stream.indirect.gather [hbm4b:s3+s9], $0x300, s21, s9, $0xb8;
	[tilespmem:$0x18200] =	vst v63  }
0x171: {  	_ =	swait.ge [sflag:s13], $0x6000  }
0x172: {  	[sflag:s13] =	ssyncset.done $0x0  }
0x173: {  	s23 =	rddreg [dreg:$0xd];
	[sflag:s13] =	ssyncadd.s32 $0xFFFFA000  }
0x174: {  	[hbm4b:s23+s2] =	stream.linear.scatter [tilespmem:s6], [sflag:$0x6], $0x6000, $0x38;
	[tilespmem:$0x18200] =	vst v63  }
0x175: {  	_ =	swait.ge [sflag:s17], $0x6000  }
0x176: {  	[sflag:s17] =	ssyncset.done $0x0  }
0x177: {  	[sflag:s17] =	ssyncadd.s32 $0xFFFFA000  }
0x178: {  	[tilespmem:s12], [sflag:$0x1] =	stream.indirect.gather [hbm4b:s3+s9], $0x300, s20, s9, $0xb8;
	[tilespmem:$0x18200] =	vst v63  }
0x179: {  	_ =	swait.ge [sflag:s11], $0x6000  }
0x17a: {  	[sflag:s11] =	ssyncset.done $0x0  }
0x17b: {  	s24 =	rddreg [dreg:$0xe];
	[sflag:s11] =	ssyncadd.s32 $0xFFFFA000  }
0x17c: {  	[hbm4b:s24+s2] =	stream.linear.scatter [tilespmem:s5], [sflag:$0x7], $0x6000, $0x38;
	[tilespmem:$0x18200] =	vst v63  }
0x17d: {  	_ =	swait.ge [sflag:s16], $0x6000  }
0x17e: {  	[sflag:s16] =	ssyncset.done $0x0  }
0x17f: {  	[sflag:s16] =	ssyncadd.s32 $0xFFFFA000  }
0x180: {  	[tilespmem:s6], [sflag:$0x2] =	stream.indirect.gather [hbm4b:s3+s9], $0x300, s19, s9, $0xb8;
	[tilespmem:$0x18200] =	vst v63  }
0x181: {  	_ =	swait.ge [sflag:s10], $0x6000  }
0x182: {  	[sflag:s10] =	ssyncset.done $0x0  }
0x183: {  	s25 =	rddreg [dreg:$0xf];
	[sflag:s10] =	ssyncadd.s32 $0xFFFFA000  }
0x184: {  	[hbm4b:s25+s2] =	stream.linear.scatter [tilespmem:s4], [sflag:$0x8], $0x6000, $0x38;
	[tilespmem:$0x18200] =	vst v63  }
0x185: {  	_ =	swait.ge [sflag:s8], $0x6000  }
0x186: {  	[sflag:s8] =	ssyncset.done $0x0  }
0x187: {  	[sflag:s8] =	ssyncadd.s32 $0xFFFFA000  }
0x188: {  	[tilespmem:s5], [sflag:$0x3] =	stream.indirect.gather [hbm4b:s3+s9], $0x300, s18, s9, $0xb8;
	[tilespmem:$0x18200] =	vst v63  }
0x189: {  	_ =	swait.ge [sflag:s14], $0x6000  }
0x18a: {  	[sflag:s14] =	ssyncset.done $0x0  }
0x18b: {  	s26 =	rddreg [dreg:$0x10];
	[sflag:s14] =	ssyncadd.s32 $0xFFFFA000  }
0x18c: {  	[hbm4b:s26+s2] =	stream.linear.scatter [tilespmem:s12], [sflag:$0x5], $0x6000, $0x38;
	[tilespmem:$0x18200] =	vst v63  }
0x18d: {  	_ =	swait.ge [sflag:s7], $0x6000  }
0x18e: {  	[sflag:s7] =	ssyncset.done $0x0  }
0x18f: {  	[sflag:s7] =	ssyncadd.s32 $0xFFFFA000  }
0x190: {  	[tilespmem:s4], [sflag:$0x4] =	stream.indirect.gather [hbm4b:s3+s9], $0x300, s15, s9, $0xb8;
	[tilespmem:$0x18200] =	vst v63  }
0x191: {  	_ =	swait.ge [sflag:s13], $0x6000  }
0x192: {  	[sflag:s13] =	ssyncset.done $0x0  }
0x193: {  	s28 =	rddreg [dreg:$0x11];
	[sflag:s13] =	ssyncadd.s32 $0xFFFFA000  }
0x194: {  	[hbm4b:s28+s2] =	stream.linear.scatter [tilespmem:s6], [sflag:$0x6], $0x6000, $0x38;
	[tilespmem:$0x18200] =	vst v63  }
0x195: {  	_ =	swait.ge [sflag:s11], $0x6000  }
0x196: {  	[sflag:s11] =	ssyncset.done $0x0  }
0x197: {  	s29 =	rddreg [dreg:$0x12];
	[sflag:s11] =	ssyncadd.s32 $0xFFFFA000  }
0x198: {  	[hbm4b:s29+s2] =	stream.linear.scatter [tilespmem:s5], [sflag:$0x7], $0x6000, $0x38;
	[tilespmem:$0x18200] =	vst v63  }
0x199: {  	_ =	swait.ge [sflag:s10], $0x6000  }
0x19a: {  	[sflag:s10] =	ssyncset.done $0x0  }
0x19b: {  	s30 =	rddreg [dreg:$0x13];
	[sflag:s10] =	ssyncadd.s32 $0xFFFFA000  }
0x19c: {  	[hbm4b:s30+s2] =	stream.linear.scatter [tilespmem:s4], [sflag:$0x8], $0x6000, $0x38;
	[tilespmem:$0x18200] =	vst v63  }
0x19d: {  	_ =	swait.ge [sflag:s8], $0x6000  }
0x19e: {  	[sflag:s8] =	ssyncset.done $0x0  }
0x19f: {  	[sflag:s8] =	ssyncadd.s32 $0xFFFFA000  }
0x1a0: {  	_ =	swait.ge [sflag:s7], $0x6000  }
0x1a1: {  	[sflag:s7] =	ssyncset.done $0x0  }
0x1a2: {  	[sflag:s7] =	ssyncadd.s32 $0xFFFFA000  }
0x1a3: {  	_ =	sfence.sel $0x180000  }
0x1a4: {  	[bflag:$0x0] =	sbarrier.arrive $0xFFFF  }
0x1a5: {  	_ =	strace $0x90000047  }
0x1a6: {  	s31 =	stileid.u32;
	[bflag:$0x2] =	sbarrier.arrive $0xFFFF  }
0x1a7: {  	p0 =	sne.s32 s31, $0x0;
	s0 =	rddreg [dreg:$0x3]  }
0x1a8: {  	s0 =	sadd.s32 @!p0 $0x100000, s0  }
0x1a9: {  	[sflag:s0] =	ssyncadd.tile.s32 @!p0 $0x1;
	_ =	shalt  }
.Lfunc_end2:
_tile_overlayer_lowered:
.L_overlay_start_2:
0x1aa: {  	(tag) =	ssettag $0x2  }
0x1ab: {  	s0 =	rddreg [dreg:$0x0];
	s2 =	stileid.u32  }
0x1ac: {  	s1 =	rddreg [dreg:$0x1];
	p0 =	sne.s32 s2, $0x0  }
0x1ad: {  	s3 =	rddreg [dreg:$0x2];
	[bflag:$0x3] =	sbarrier.arrive $0xFFFF;
	s2 =	simm.s32 @!p0 $0x1C09  }
0x1ae: {  	[timem:s3], [sflag:s2] =	dma.local @!p0 [hbm:s0], s1  }
0x1af: {  	s0 =	simm.s32 @!p0 $0x9  }
0x1b0: {  	_ =	swait.ge @!p0 [sflag:s0], s1  }
0x1b1: {  	s1 =	ssub.s32 @!p0 $0x0, s1;
	[sflag:s0] =	ssyncset.done @!p0 $0x0  }
0x1b2: {  	[sflag:s0] =	ssyncadd.s32 @!p0 s1  }
0x1b3: {  	[bflag:$0x3] =	sbarrier.arrive $0xFFFF  }
0x1b4: {  	_ =	shalt  }

</sc_bundles>
